<compile_context>
chip_gen: v7x
topology: tpu7x:2x2x1
jax: 0.10.2.dev20260603
libtpu: 0.0.44.dev20260713+nightly
codegen_flags: <defaults>
</compile_context>

<pallas_src>
import functools

import jax
import jax.numpy as jnp
from jax import lax
from jax.experimental import pallas as pl
from jax.experimental.pallas import tpu as pltpu
from jax.experimental.pallas import tpu_sc as plsc

NUM_REC = 100
NUM_ITEMS = 10000
EMBED_DIM = 32
HIST_LEN = 200

NUM_WORKERS = 32
N_PAD = 10240
ROWS_PER_W = N_PAD // NUM_WORKERS
HALF = EMBED_DIM // 2

_sc_mesh = plsc.VectorSubcoreMesh(core_axis_name="c", subcore_axis_name="s")


@functools.partial(
    pl.kernel,
    mesh=_sc_mesh,
    out_type=jax.ShapeDtypeStruct((N_PAD,), jnp.float32),
    scratch_types=[
        pltpu.VMEM((HIST_LEN,), jnp.int32),
        pltpu.VMEM((HIST_LEN, EMBED_DIM), jnp.float32),
        pltpu.VMEM((ROWS_PER_W, EMBED_DIM), jnp.float32),
        pltpu.VMEM((ROWS_PER_W,), jnp.float32),
        pltpu.SemaphoreType.DMA,
    ],
    compiler_params=pltpu.CompilerParams(
        needs_layout_passes=False, use_tc_tiling_on_sc=False
    ),
)
def _sc_scores(hist_hbm, table_hbm, out_hbm, idx_v, rows_v, chunk_v, sc_v, sem):
    wid = lax.axis_index("s") * 2 + lax.axis_index("c")
    base = jnp.minimum(wid * ROWS_PER_W, NUM_ITEMS - ROWS_PER_W)

    chunk_cp = pltpu.make_async_copy(
        table_hbm.at[pl.ds(base, ROWS_PER_W)], chunk_v, sem
    )
    chunk_cp.start()
    pltpu.sync_copy(hist_hbm, idx_v)
    pltpu.async_copy(table_hbm.at[idx_v], rows_v, sem).wait()
    chunk_cp.wait()

    zero = jnp.zeros((HALF,), jnp.float32)

    def mean_body(i, carry):
        a0, a1 = carry
        return (a0 + rows_v[i, pl.ds(0, HALF)], a1 + rows_v[i, pl.ds(HALF, HALF)])

    a0, a1 = lax.fori_loop(0, HIST_LEN, mean_body, (zero, zero))
    scale = jnp.float32(1.0 / HIST_LEN)

    def bf16q(x):
        b = lax.bitcast_convert_type(x, jnp.int32)
        lsb = lax.shift_right_logical(b, 16) & 1
        b = (b + (0x7FFF + lsb)) & jnp.int32(-65536)
        return lax.bitcast_convert_type(b, jnp.float32)

    u0 = bf16q(a0 * scale)
    u1 = bf16q(a1 * scale)

    lane = lax.iota(jnp.int32, HALF)

    def group_body(g, _):
        acc = jnp.zeros((HALF,), jnp.float32)
        for i in range(HALF):
            r = g * HALF + i
            v = bf16q(chunk_v[r, pl.ds(0, HALF)]) * u0 + bf16q(
                chunk_v[r, pl.ds(HALF, HALF)]
            ) * u1
            acc = jnp.where(lane == i, jnp.sum(v), acc)
        sc_v[pl.ds(g * HALF, HALF)] = acc
        return 0

    lax.fori_loop(0, ROWS_PER_W // HALF, group_body, 0)
    pltpu.sync_copy(sc_v, out_hbm.at[pl.ds(base, ROWS_PER_W)])


def _tc_topk_body(s_ref, out_ref):
    rows = N_PAD // 128
    ngrp = rows // 8
    s = s_ref[...].reshape(rows, 128)
    lin = (
        lax.broadcasted_iota(jnp.int32, (rows, 128), 0) * 128
        + lax.broadcasted_iota(jnp.int32, (rows, 128), 1)
    )
    s = jnp.where(lin < NUM_ITEMS, s, -jnp.inf)
    lin8 = (
        lax.broadcasted_iota(jnp.int32, (8, 128), 0) * 128
        + lax.broadcasted_iota(jnp.int32, (8, 128), 1)
    )

    def remax(s):
        vals = [s[g * 8 : (g + 1) * 8, :] for g in range(ngrp)]
        gs = [jnp.full((8, 128), g, jnp.int32) for g in range(ngrp)]
        while len(vals) > 1:
            nv, ng = [], []
            for i in range(0, len(vals) - 1, 2):
                upd = vals[i + 1] > vals[i]
                nv.append(jnp.where(upd, vals[i + 1], vals[i]))
                ng.append(jnp.where(upd, gs[i + 1], gs[i]))
            if len(vals) % 2:
                nv.append(vals[-1])
                ng.append(gs[-1])
            vals, gs = nv, ng
        return vals[0], gs[0]

    def body(k, carry):
        s, val8, g8, acc8 = carry
        m = jnp.max(val8, keepdims=True)
        pos = jnp.min(
            jnp.where(val8 == m, g8 * 1024 + lin8, jnp.int32(2**30)), keepdims=True
        )
        acc8 = jnp.where(lin8 == k, pos, acc8)
        s = jnp.where(lin == pos, -jnp.inf, s)
        val8, g8 = remax(s)
        return s, val8, g8, acc8

    v0, g0 = remax(s)
    acc0 = jnp.zeros((8, 128), jnp.int32)
    _, _, _, acc8 = lax.fori_loop(0, NUM_REC, body, (s, v0, g0, acc0))
    out_ref[...] = acc8


def _tc_topk(scores):
    return pl.pallas_call(
        _tc_topk_body,
        in_specs=[pl.BlockSpec(memory_space=pltpu.VMEM)],
        out_specs=pl.BlockSpec(memory_space=pltpu.VMEM),
        out_shape=jax.ShapeDtypeStruct((8, 128), jnp.int32),
    )(scores)


@jax.jit
def kernel(user_history, item_embeddings):
    hist = user_history.astype(jnp.int32)
    scores = _sc_scores(hist, item_embeddings)
    return _tc_topk(scores).reshape(1024)[:NUM_REC]

# --- scband reference (transcript-rebuilt; emitter-appended) ---
"""Pipeline reference for scband-model-6253472383143 (READ-ONLY COPY).

The authoritative reference and input builder live on the scoring server;
editing this copy changes nothing except your own understanding.
"""

import jax, jax.numpy as jnp
import numpy as np

NUM_REC = 100
NUM_ITEMS = 10000
EMBED_DIM = 32
HIST_LEN = 200


def setup_inputs(seed: int = 0) -> dict:
    key = jax.random.key(seed)
    k1, k2 = jax.random.split(key)
    user_history = jax.random.randint(k1, (HIST_LEN,), 0, NUM_ITEMS)
    # torch.rand -> uniform [0, 1)
    item_embeddings = jax.random.uniform(k2, (NUM_ITEMS, EMBED_DIM), dtype=jnp.float32)
    return {"user_history": user_history, "item_embeddings": item_embeddings}


def reference(user_history, item_embeddings):
    # user_embedding = self._item_embeddings[user_history].mean(dim=0)
    user_embedding = jnp.take(item_embeddings, user_history, axis=0).mean(axis=0)
    # scores = user_embedding @ self._item_embeddings.T
    scores = user_embedding @ item_embeddings.T
    # topk = torch.topk(scores, k=num_recommendations); return topk.indices
    _, indices = jax.lax.top_k(scores, NUM_REC)
    return indices

if __name__ == "__main__":
    import jax
    _d = setup_inputs()
    print(jax.jit(kernel)(*tuple(_d.values())))

</pallas_src>

<mosaic_0001>
#map = affine_map<(d0, d1) -> (0)>
#map1 = affine_map<(d0, d1) -> (0, 0)>
module attributes {stable_mosaic.version = 14 : i64} {
  func.func @_sc_scores(%arg0: i32, %arg1: i32, %arg2: memref<200xi32, #tpu.memory_space<hbm>>, %arg3: memref<10000x32xf32, #tpu.memory_space<hbm>>, %arg4: memref<10240xf32, #tpu.memory_space<hbm>>, %arg5: memref<200xi32, #tpu.memory_space<vmem>>, %arg6: memref<200x32xf32, #tpu.memory_space<vmem>>, %arg7: memref<320x32xf32, #tpu.memory_space<vmem>>, %arg8: memref<320xf32, #tpu.memory_space<vmem>>, %arg9: memref<!tpu.dma_semaphore, #tpu.memory_space<semaphore_mem>>) attributes {dimension_semantics = [#tpu.dimension_semantics<core_parallel>, #tpu.dimension_semantics<subcore_parallel>], iteration_bounds = array<i64: 2, 16>, scalar_prefetch = 0 : i64, scratch_operands = 5 : i64, tpu.core_type = #tpu.core_type<sc_vector_subcore>, window_params = [{transform_indices = #map}, {transform_indices = #map1}, {transform_indices = #map}]} {
    %mul3A = arith.constant 2 : i32
    %mul3A_0 = arith.muli %arg1, %mul3A : i32
    %add3A = arith.addi %mul3A_0, %arg0 : i32
    %mul3A_1 = arith.constant 320 : i32
    %mul3A_2 = arith.muli %add3A, %mul3A_1 : i32
    %min3A = arith.constant 9680 : i32
    %min3A_3 = arith.minsi %mul3A_2, %min3A : i32
    %dma_start3A = arith.constant 0 : i32
    %dma_start3A_4 = tpu.memref_slice %arg3[%min3A_3, %dma_start3A] : memref<10000x32xf32, #tpu.memory_space<hbm>> -> memref<320x32xf32, #tpu.memory_space<hbm>>
    %dma_start3A_5 = arith.constant 0 : i32
    %dma_start3A_6 = tpu.memref_slice %arg3[%min3A_3, %dma_start3A_5] : memref<10000x32xf32, #tpu.memory_space<hbm>> -> memref<320x32xf32, #tpu.memory_space<hbm>>
    tpu.enqueue_dma source(%dma_start3A_6 : memref<320x32xf32, #tpu.memory_space<hbm>>) target(%arg7 : memref<320x32xf32, #tpu.memory_space<vmem>>) target_semaphore(%arg9 : memref<!tpu.dma_semaphore, #tpu.memory_space<semaphore_mem>>)
    "tpu.region"() ({
      %run_scoped3A = tpu.sem_alloc : memref<!tpu.dma_semaphore, #tpu.memory_space<semaphore_mem>>
      tpu.enqueue_dma source(%arg2 : memref<200xi32, #tpu.memory_space<hbm>>) target(%arg5 : memref<200xi32, #tpu.memory_space<vmem>>) target_semaphore(%run_scoped3A : memref<!tpu.dma_semaphore, #tpu.memory_space<semaphore_mem>>)
      tpu.wait_dma2 semaphore(%run_scoped3A : memref<!tpu.dma_semaphore, #tpu.memory_space<semaphore_mem>>) src(%arg2 : memref<200xi32, #tpu.memory_space<hbm>>) dst(%arg5 : memref<200xi32, #tpu.memory_space<vmem>>)
      tpu.yield
    }) : () -> ()
    %dma_start3A_7 = arith.constant 0 : i32
    %dma_start3A_8 = arith.constant 0 : i32
    %dma_start3A_9 = tpu.memref_slice %arg3[%dma_start3A_7, %dma_start3A_8] : memref<10000x32xf32, #tpu.memory_space<hbm>> -> memref<10000x32xf32, #tpu.memory_space<hbm>>
    tpu.enqueue_indirect_dma source(%dma_start3A_9 : memref<10000x32xf32, #tpu.memory_space<hbm>>) target(%arg6 : memref<200x32xf32, #tpu.memory_space<vmem>>) offsets(%arg5 : memref<200xi32, #tpu.memory_space<vmem>>) semaphore(%arg9 : memref<!tpu.dma_semaphore, #tpu.memory_space<semaphore_mem>>)
    %dma_wait3A = arith.constant 0 : i32
    %dma_wait3A_10 = arith.constant 0 : i32
    %dma_wait3A_11 = tpu.memref_slice %arg3[%dma_wait3A, %dma_wait3A_10] : memref<10000x32xf32, #tpu.memory_space<hbm>> -> memref<10000x32xf32, #tpu.memory_space<hbm>>
    tpu.wait_indirect_dma semaphore(%arg9 : memref<!tpu.dma_semaphore, #tpu.memory_space<semaphore_mem>>) src(%dma_wait3A_11 : memref<10000x32xf32, #tpu.memory_space<hbm>>) dst(%arg6 : memref<200x32xf32, #tpu.memory_space<vmem>>)
    %dma_wait3A_12 = arith.constant 0 : i32
    %dma_wait3A_13 = tpu.memref_slice %arg3[%min3A_3, %dma_wait3A_12] : memref<10000x32xf32, #tpu.memory_space<hbm>> -> memref<320x32xf32, #tpu.memory_space<hbm>>
    %dma_wait3A_14 = arith.constant 0 : i32
    %dma_wait3A_15 = tpu.memref_slice %arg3[%min3A_3, %dma_wait3A_14] : memref<10000x32xf32, #tpu.memory_space<hbm>> -> memref<320x32xf32, #tpu.memory_space<hbm>>
    tpu.wait_dma2 semaphore(%arg9 : memref<!tpu.dma_semaphore, #tpu.memory_space<semaphore_mem>>) src(%dma_wait3A_15 : memref<320x32xf32, #tpu.memory_space<hbm>>) dst(%arg7 : memref<320x32xf32, #tpu.memory_space<vmem>>)
    %broadcast_in_dim3A = arith.constant 0.000000e+00 : f32
    %broadcast_in_dim3A_16 = vector.broadcast %broadcast_in_dim3A : f32 to vector<16xf32>
    %scan3A = arith.constant 0 : i32
    %scan3A_17 = arith.constant 200 : i32
    %scan3A_18 = arith.addi %scan3A, %scan3A_17 : i32
    %scan3A_19 = arith.constant 1 : i32
    %scan3A_20:2 = scf.for %scan3A_62 = %scan3A to %scan3A_18 step %scan3A_19 iter_args(%scan3A_63 = %broadcast_in_dim3A_16, %scan3A_64 = %broadcast_in_dim3A_16) -> (vector<16xf32>, vector<16xf32>)  : i32 {
      %get3A = arith.index_cast %scan3A_62 : i32 to index
      %get3A_65 = arith.constant 0 : index
      %get3A_66 = tpu.vector_load %arg6[%get3A, %get3A_65] {strides = array<i32>} : memref<200x32xf32, #tpu.memory_space<vmem>>, vector<16xf32>,
      %add3A_67 = arith.addf %scan3A_63, %get3A_66 : vector<16xf32>
      %get3A_68 = arith.index_cast %scan3A_62 : i32 to index
      %get3A_69 = arith.constant 16 : index
      %get3A_70 = tpu.vector_load %arg6[%get3A_68, %get3A_69] {strides = array<i32>} : memref<200x32xf32, #tpu.memory_space<vmem>>, vector<16xf32>,
      %add3A_71 = arith.addf %scan3A_64, %get3A_70 : vector<16xf32>
      scf.yield %add3A_67, %add3A_71 : vector<16xf32>, vector<16xf32>
    }
    %scan3A_21 = arith.constant 200 : i32
    %mul3A_22 = arith.constant 5.000000e-03 : f32
    %mul3A_23 = vector.broadcast %mul3A_22 : f32 to vector<16xf32>
    %mul3A_24 = arith.mulf %scan3A_20#0, %mul3A_23 : vector<16xf32>
    %bitcast_convert_type3A = tpu.bitcast %mul3A_24 : vector<16xf32> -> vector<16xi32>
    %shift_right_logical3A = arith.constant 16 : i32
    %shift_right_logical3A_25 = vector.broadcast %shift_right_logical3A : i32 to vector<16xi32>
    %shift_right_logical3A_26 = arith.shrui %bitcast_convert_type3A, %shift_right_logical3A_25 : vector<16xi32>
    %and3A = arith.constant 1 : i32
    %and3A_27 = vector.broadcast %and3A : i32 to vector<16xi32>
    %and3A_28 = arith.andi %shift_right_logical3A_26, %and3A_27 : vector<16xi32>
    %add3A_29 = arith.constant 32767 : i32
    %add3A_30 = vector.broadcast %add3A_29 : i32 to vector<16xi32>
    %add3A_31 = arith.addi %add3A_30, %and3A_28 : vector<16xi32>
    %add3A_32 = arith.addi %bitcast_convert_type3A, %add3A_31 : vector<16xi32>
    %and3A_33 = arith.constant -65536 : i32
    %and3A_34 = vector.broadcast %and3A_33 : i32 to vector<16xi32>
    %and3A_35 = arith.andi %add3A_32, %and3A_34 : vector<16xi32>
    %bitcast_convert_type3A_36 = tpu.bitcast %and3A_35 : vector<16xi32> -> vector<16xf32>
    %mul3A_37 = arith.constant 5.000000e-03 : f32
    %mul3A_38 = vector.broadcast %mul3A_37 : f32 to vector<16xf32>
    %mul3A_39 = arith.mulf %scan3A_20#1, %mul3A_38 : vector<16xf32>
    %bitcast_convert_type3A_40 = tpu.bitcast %mul3A_39 : vector<16xf32> -> vector<16xi32>
    %shift_right_logical3A_41 = arith.constant 16 : i32
    %shift_right_logical3A_42 = vector.broadcast %shift_right_logical3A_41 : i32 to vector<16xi32>
    %shift_right_logical3A_43 = arith.shrui %bitcast_convert_type3A_40, %shift_right_logical3A_42 : vector<16xi32>
    %and3A_44 = arith.constant 1 : i32
    %and3A_45 = vector.broadcast %and3A_44 : i32 to vector<16xi32>
    %and3A_46 = arith.andi %shift_right_logical3A_43, %and3A_45 : vector<16xi32>
    %add3A_47 = arith.constant 32767 : i32
    %add3A_48 = vector.broadcast %add3A_47 : i32 to vector<16xi32>
    %add3A_49 = arith.addi %add3A_48, %and3A_46 : vector<16xi32>
    %add3A_50 = arith.addi %bitcast_convert_type3A_40, %add3A_49 : vector<16xi32>
    %and3A_51 = arith.constant -65536 : i32
    %and3A_52 = vector.broadcast %and3A_51 : i32 to vector<16xi32>
    %and3A_53 = arith.andi %add3A_50, %and3A_52 : vector<16xi32>
    %bitcast_convert_type3A_54 = tpu.bitcast %and3A_53 : vector<16xi32> -> vector<16xf32>
    %iota3A = tpu.iota {dimensions = array<i32: 0>} : vector<16xi32>
    %scan3A_55 = arith.constant 0 : i32
    %scan3A_56 = arith.constant 0 : i32
    %scan3A_57 = arith.constant 20 : i32
    %scan3A_58 = arith.addi %scan3A_56, %scan3A_57 : i32
    %scan3A_59 = arith.constant 1 : i32
    %scan3A_60 = scf.for %scan3A_62 = %scan3A_56 to %scan3A_58 step %scan3A_59 iter_args(%scan3A_63 = %scan3A_55) -> (i32)  : i32 {
      %broadcast_in_dim3A_64 = arith.constant 0.000000e+00 : f32
      %broadcast_in_dim3A_65 = vector.broadcast %broadcast_in_dim3A_64 : f32 to vector<16xf32>
      %mul3A_66 = arith.constant 16 : i32
      %mul3A_67 = arith.muli %scan3A_62, %mul3A_66 : i32
      %add3A_68 = arith.constant 0 : i32
      %add3A_69 = arith.addi %mul3A_67, %add3A_68 : i32
      %get3A = arith.index_cast %add3A_69 : i32 to index
      %get3A_70 = arith.constant 0 : index
      %get3A_71 = tpu.vector_load %arg7[%get3A, %get3A_70] {strides = array<i32>} : memref<320x32xf32, #tpu.memory_space<vmem>>, vector<16xf32>,
      %bitcast_convert_type3A_72 = tpu.bitcast %get3A_71 : vector<16xf32> -> vector<16xi32>
      %shift_right_logical3A_73 = arith.constant 16 : i32
      %shift_right_logical3A_74 = vector.broadcast %shift_right_logical3A_73 : i32 to vector<16xi32>
      %shift_right_logical3A_75 = arith.shrui %bitcast_convert_type3A_72, %shift_right_logical3A_74 : vector<16xi32>
      %and3A_76 = arith.constant 1 : i32
      %and3A_77 = vector.broadcast %and3A_76 : i32 to vector<16xi32>
      %and3A_78 = arith.andi %shift_right_logical3A_75, %and3A_77 : vector<16xi32>
      %add3A_79 = arith.constant 32767 : i32
      %add3A_80 = vector.broadcast %add3A_79 : i32 to vector<16xi32>
      %add3A_81 = arith.addi %add3A_80, %and3A_78 : vector<16xi32>
      %add3A_82 = arith.addi %bitcast_convert_type3A_72, %add3A_81 : vector<16xi32>
      %and3A_83 = arith.constant -65536 : i32
      %and3A_84 = vector.broadcast %and3A_83 : i32 to vector<16xi32>
      %and3A_85 = arith.andi %add3A_82, %and3A_84 : vector<16xi32>
      %bitcast_convert_type3A_86 = tpu.bitcast %and3A_85 : vector<16xi32> -> vector<16xf32>
      %mul3A_87 = arith.mulf %bitcast_convert_type3A_86, %bitcast_convert_type3A_36 : vector<16xf32>
      %get3A_88 = arith.index_cast %add3A_69 : i32 to index
      %get3A_89 = arith.constant 16 : index
      %get3A_90 = tpu.vector_load %arg7[%get3A_88, %get3A_89] {strides = array<i32>} : memref<320x32xf32, #tpu.memory_space<vmem>>, vector<16xf32>,
      %bitcast_convert_type3A_91 = tpu.bitcast %get3A_90 : vector<16xf32> -> vector<16xi32>
      %shift_right_logical3A_92 = arith.constant 16 : i32
      %shift_right_logical3A_93 = vector.broadcast %shift_right_logical3A_92 : i32 to vector<16xi32>
      %shift_right_logical3A_94 = arith.shrui %bitcast_convert_type3A_91, %shift_right_logical3A_93 : vector<16xi32>
      %and3A_95 = arith.constant 1 : i32
      %and3A_96 = vector.broadcast %and3A_95 : i32 to vector<16xi32>
      %and3A_97 = arith.andi %shift_right_logical3A_94, %and3A_96 : vector<16xi32>
      %add3A_98 = arith.constant 32767 : i32
      %add3A_99 = vector.broadcast %add3A_98 : i32 to vector<16xi32>
      %add3A_100 = arith.addi %add3A_99, %and3A_97 : vector<16xi32>
      %add3A_101 = arith.addi %bitcast_convert_type3A_91, %add3A_100 : vector<16xi32>
      %and3A_102 = arith.constant -65536 : i32
      %and3A_103 = vector.broadcast %and3A_102 : i32 to vector<16xi32>
      %and3A_104 = arith.andi %add3A_101, %and3A_103 : vector<16xi32>
      %bitcast_convert_type3A_105 = tpu.bitcast %and3A_104 : vector<16xi32> -> vector<16xf32>
      %mul3A_106 = arith.mulf %bitcast_convert_type3A_105, %bitcast_convert_type3A_54 : vector<16xf32>
      %add3A_107 = arith.addf %mul3A_87, %mul3A_106 : vector<16xf32>
      %eq3A = arith.constant 0 : i32
      %eq3A_108 = vector.broadcast %eq3A : i32 to vector<16xi32>
      %eq3A_109 = arith.cmpi eq, %iota3A, %eq3A_108 : vector<16xi32>
      %reduce_sum3A = arith.constant true
      %reduce_sum3A_110 = vector.broadcast %reduce_sum3A : i1 to vector<16xi1>
      %reduce_sum3A_111 = tpu.scan <sum>, %add3A_107 masked %reduce_sum3A_110 : vector<16xf32>, vector<16xi1> -> vector<16xf32>
      %reduce_sum3A_112 = vector.extract %reduce_sum3A_111[15] : f32 from vector<16xf32>
      %broadcast_in_dim3A_113 = vector.broadcast %reduce_sum3A_112 : f32 to vector<16xf32>
      %select_n3A = arith.select %eq3A_109, %broadcast_in_dim3A_113, %broadcast_in_dim3A_65 : vector<16xi1>, vector<16xf32>
      %mul3A_114 = arith.constant 16 : i32
      %mul3A_115 = arith.muli %scan3A_62, %mul3A_114 : i32
      %add3A_116 = arith.constant 1 : i32
      %add3A_117 = arith.addi %mul3A_115, %add3A_116 : i32
      %get3A_118 = arith.index_cast %add3A_117 : i32 to index
      %get3A_119 = arith.constant 0 : index
      %get3A_120 = tpu.vector_load %arg7[%get3A_118, %get3A_119] {strides = array<i32>} : memref<320x32xf32, #tpu.memory_space<vmem>>, vector<16xf32>,
      %bitcast_convert_type3A_121 = tpu.bitcast %get3A_120 : vector<16xf32> -> vector<16xi32>
      %shift_right_logical3A_122 = arith.constant 16 : i32
      %shift_right_logical3A_123 = vector.broadcast %shift_right_logical3A_122 : i32 to vector<16xi32>
      %shift_right_logical3A_124 = arith.shrui %bitcast_convert_type3A_121, %shift_right_logical3A_123 : vector<16xi32>
      %and3A_125 = arith.constant 1 : i32
      %and3A_126 = vector.broadcast %and3A_125 : i32 to vector<16xi32>
      %and3A_127 = arith.andi %shift_right_logical3A_124, %and3A_126 : vector<16xi32>
      %add3A_128 = arith.constant 32767 : i32
      %add3A_129 = vector.broadcast %add3A_128 : i32 to vector<16xi32>
      %add3A_130 = arith.addi %add3A_129, %and3A_127 : vector<16xi32>
      %add3A_131 = arith.addi %bitcast_convert_type3A_121, %add3A_130 : vector<16xi32>
      %and3A_132 = arith.constant -65536 : i32
      %and3A_133 = vector.broadcast %and3A_132 : i32 to vector<16xi32>
      %and3A_134 = arith.andi %add3A_131, %and3A_133 : vector<16xi32>
      %bitcast_convert_type3A_135 = tpu.bitcast %and3A_134 : vector<16xi32> -> vector<16xf32>
      %mul3A_136 = arith.mulf %bitcast_convert_type3A_135, %bitcast_convert_type3A_36 : vector<16xf32>
      %get3A_137 = arith.index_cast %add3A_117 : i32 to index
      %get3A_138 = arith.constant 16 : index
      %get3A_139 = tpu.vector_load %arg7[%get3A_137, %get3A_138] {strides = array<i32>} : memref<320x32xf32, #tpu.memory_space<vmem>>, vector<16xf32>,
      %bitcast_convert_type3A_140 = tpu.bitcast %get3A_139 : vector<16xf32> -> vector<16xi32>
      %shift_right_logical3A_141 = arith.constant 16 : i32
      %shift_right_logical3A_142 = vector.broadcast %shift_right_logical3A_141 : i32 to vector<16xi32>
      %shift_right_logical3A_143 = arith.shrui %bitcast_convert_type3A_140, %shift_right_logical3A_142 : vector<16xi32>
      %and3A_144 = arith.constant 1 : i32
      %and3A_145 = vector.broadcast %and3A_144 : i32 to vector<16xi32>
      %and3A_146 = arith.andi %shift_right_logical3A_143, %and3A_145 : vector<16xi32>
      %add3A_147 = arith.constant 32767 : i32
      %add3A_148 = vector.broadcast %add3A_147 : i32 to vector<16xi32>
      %add3A_149 = arith.addi %add3A_148, %and3A_146 : vector<16xi32>
      %add3A_150 = arith.addi %bitcast_convert_type3A_140, %add3A_149 : vector<16xi32>
      %and3A_151 = arith.constant -65536 : i32
      %and3A_152 = vector.broadcast %and3A_151 : i32 to vector<16xi32>
      %and3A_153 = arith.andi %add3A_150, %and3A_152 : vector<16xi32>
      %bitcast_convert_type3A_154 = tpu.bitcast %and3A_153 : vector<16xi32> -> vector<16xf32>
      %mul3A_155 = arith.mulf %bitcast_convert_type3A_154, %bitcast_convert_type3A_54 : vector<16xf32>
      %add3A_156 = arith.addf %mul3A_136, %mul3A_155 : vector<16xf32>
      %eq3A_157 = arith.constant 1 : i32
      %eq3A_158 = vector.broadcast %eq3A_157 : i32 to vector<16xi32>
      %eq3A_159 = arith.cmpi eq, %iota3A, %eq3A_158 : vector<16xi32>
      %reduce_sum3A_160 = arith.constant true
      %reduce_sum3A_161 = vector.broadcast %reduce_sum3A_160 : i1 to vector<16xi1>
      %reduce_sum3A_162 = tpu.scan <sum>, %add3A_156 masked %reduce_sum3A_161 : vector<16xf32>, vector<16xi1> -> vector<16xf32>
      %reduce_sum3A_163 = vector.extract %reduce_sum3A_162[15] : f32 from vector<16xf32>
      %broadcast_in_dim3A_164 = vector.broadcast %reduce_sum3A_163 : f32 to vector<16xf32>
      %select_n3A_165 = arith.select %eq3A_159, %broadcast_in_dim3A_164, %select_n3A : vector<16xi1>, vector<16xf32>
      %mul3A_166 = arith.constant 16 : i32
      %mul3A_167 = arith.muli %scan3A_62, %mul3A_166 : i32
      %add3A_168 = arith.constant 2 : i32
      %add3A_169 = arith.addi %mul3A_167, %add3A_168 : i32
      %get3A_170 = arith.index_cast %add3A_169 : i32 to index
      %get3A_171 = arith.constant 0 : index
      %get3A_172 = tpu.vector_load %arg7[%get3A_170, %get3A_171] {strides = array<i32>} : memref<320x32xf32, #tpu.memory_space<vmem>>, vector<16xf32>,
      %bitcast_convert_type3A_173 = tpu.bitcast %get3A_172 : vector<16xf32> -> vector<16xi32>
      %shift_right_logical3A_174 = arith.constant 16 : i32
      %shift_right_logical3A_175 = vector.broadcast %shift_right_logical3A_174 : i32 to vector<16xi32>
      %shift_right_logical3A_176 = arith.shrui %bitcast_convert_type3A_173, %shift_right_logical3A_175 : vector<16xi32>
      %and3A_177 = arith.constant 1 : i32
      %and3A_178 = vector.broadcast %and3A_177 : i32 to vector<16xi32>
      %and3A_179 = arith.andi %shift_right_logical3A_176, %and3A_178 : vector<16xi32>
      %add3A_180 = arith.constant 32767 : i32
      %add3A_181 = vector.broadcast %add3A_180 : i32 to vector<16xi32>
      %add3A_182 = arith.addi %add3A_181, %and3A_179 : vector<16xi32>
      %add3A_183 = arith.addi %bitcast_convert_type3A_173, %add3A_182 : vector<16xi32>
      %and3A_184 = arith.constant -65536 : i32
      %and3A_185 = vector.broadcast %and3A_184 : i32 to vector<16xi32>
      %and3A_186 = arith.andi %add3A_183, %and3A_185 : vector<16xi32>
      %bitcast_convert_type3A_187 = tpu.bitcast %and3A_186 : vector<16xi32> -> vector<16xf32>
      %mul3A_188 = arith.mulf %bitcast_convert_type3A_187, %bitcast_convert_type3A_36 : vector<16xf32>
      %get3A_189 = arith.index_cast %add3A_169 : i32 to index
      %get3A_190 = arith.constant 16 : index
      %get3A_191 = tpu.vector_load %arg7[%get3A_189, %get3A_190] {strides = array<i32>} : memref<320x32xf32, #tpu.memory_space<vmem>>, vector<16xf32>,
      %bitcast_convert_type3A_192 = tpu.bitcast %get3A_191 : vector<16xf32> -> vector<16xi32>
      %shift_right_logical3A_193 = arith.constant 16 : i32
      %shift_right_logical3A_194 = vector.broadcast %shift_right_logical3A_193 : i32 to vector<16xi32>
      %shift_right_logical3A_195 = arith.shrui %bitcast_convert_type3A_192, %shift_right_logical3A_194 : vector<16xi32>
      %and3A_196 = arith.constant 1 : i32
      %and3A_197 = vector.broadcast %and3A_196 : i32 to vector<16xi32>
      %and3A_198 = arith.andi %shift_right_logical3A_195, %and3A_197 : vector<16xi32>
      %add3A_199 = arith.constant 32767 : i32
      %add3A_200 = vector.broadcast %add3A_199 : i32 to vector<16xi32>
      %add3A_201 = arith.addi %add3A_200, %and3A_198 : vector<16xi32>
      %add3A_202 = arith.addi %bitcast_convert_type3A_192, %add3A_201 : vector<16xi32>
      %and3A_203 = arith.constant -65536 : i32
      %and3A_204 = vector.broadcast %and3A_203 : i32 to vector<16xi32>
      %and3A_205 = arith.andi %add3A_202, %and3A_204 : vector<16xi32>
      %bitcast_convert_type3A_206 = tpu.bitcast %and3A_205 : vector<16xi32> -> vector<16xf32>
      %mul3A_207 = arith.mulf %bitcast_convert_type3A_206, %bitcast_convert_type3A_54 : vector<16xf32>
      %add3A_208 = arith.addf %mul3A_188, %mul3A_207 : vector<16xf32>
      %eq3A_209 = arith.constant 2 : i32
      %eq3A_210 = vector.broadcast %eq3A_209 : i32 to vector<16xi32>
      %eq3A_211 = arith.cmpi eq, %iota3A, %eq3A_210 : vector<16xi32>
      %reduce_sum3A_212 = arith.constant true
      %reduce_sum3A_213 = vector.broadcast %reduce_sum3A_212 : i1 to vector<16xi1>
      %reduce_sum3A_214 = tpu.scan <sum>, %add3A_208 masked %reduce_sum3A_213 : vector<16xf32>, vector<16xi1> -> vector<16xf32>
      %reduce_sum3A_215 = vector.extract %reduce_sum3A_214[15] : f32 from vector<16xf32>
      %broadcast_in_dim3A_216 = vector.broadcast %reduce_sum3A_215 : f32 to vector<16xf32>
      %select_n3A_217 = arith.select %eq3A_211, %broadcast_in_dim3A_216, %select_n3A_165 : vector<16xi1>, vector<16xf32>
      %mul3A_218 = arith.constant 16 : i32
      %mul3A_219 = arith.muli %scan3A_62, %mul3A_218 : i32
      %add3A_220 = arith.constant 3 : i32
      %add3A_221 = arith.addi %mul3A_219, %add3A_220 : i32
      %get3A_222 = arith.index_cast %add3A_221 : i32 to index
      %get3A_223 = arith.constant 0 : index
      %get3A_224 = tpu.vector_load %arg7[%get3A_222, %get3A_223] {strides = array<i32>} : memref<320x32xf32, #tpu.memory_space<vmem>>, vector<16xf32>,
      %bitcast_convert_type3A_225 = tpu.bitcast %get3A_224 : vector<16xf32> -> vector<16xi32>
      %shift_right_logical3A_226 = arith.constant 16 : i32
      %shift_right_logical3A_227 = vector.broadcast %shift_right_logical3A_226 : i32 to vector<16xi32>
      %shift_right_logical3A_228 = arith.shrui %bitcast_convert_type3A_225, %shift_right_logical3A_227 : vector<16xi32>
      %and3A_229 = arith.constant 1 : i32
      %and3A_230 = vector.broadcast %and3A_229 : i32 to vector<16xi32>
      %and3A_231 = arith.andi %shift_right_logical3A_228, %and3A_230 : vector<16xi32>
      %add3A_232 = arith.constant 32767 : i32
      %add3A_233 = vector.broadcast %add3A_232 : i32 to vector<16xi32>
      %add3A_234 = arith.addi %add3A_233, %and3A_231 : vector<16xi32>
      %add3A_235 = arith.addi %bitcast_convert_type3A_225, %add3A_234 : vector<16xi32>
      %and3A_236 = arith.constant -65536 : i32
      %and3A_237 = vector.broadcast %and3A_236 : i32 to vector<16xi32>
      %and3A_238 = arith.andi %add3A_235, %and3A_237 : vector<16xi32>
      %bitcast_convert_type3A_239 = tpu.bitcast %and3A_238 : vector<16xi32> -> vector<16xf32>
      %mul3A_240 = arith.mulf %bitcast_convert_type3A_239, %bitcast_convert_type3A_36 : vector<16xf32>
      %get3A_241 = arith.index_cast %add3A_221 : i32 to index
      %get3A_242 = arith.constant 16 : index
      %get3A_243 = tpu.vector_load %arg7[%get3A_241, %get3A_242] {strides = array<i32>} : memref<320x32xf32, #tpu.memory_space<vmem>>, vector<16xf32>,
      %bitcast_convert_type3A_244 = tpu.bitcast %get3A_243 : vector<16xf32> -> vector<16xi32>
      %shift_right_logical3A_245 = arith.constant 16 : i32
      %shift_right_logical3A_246 = vector.broadcast %shift_right_logical3A_245 : i32 to vector<16xi32>
      %shift_right_logical3A_247 = arith.shrui %bitcast_convert_type3A_244, %shift_right_logical3A_246 : vector<16xi32>
      %and3A_248 = arith.constant 1 : i32
      %and3A_249 = vector.broadcast %and3A_248 : i32 to vector<16xi32>
      %and3A_250 = arith.andi %shift_right_logical3A_247, %and3A_249 : vector<16xi32>
      %add3A_251 = arith.constant 32767 : i32
      %add3A_252 = vector.broadcast %add3A_251 : i32 to vector<16xi32>
      %add3A_253 = arith.addi %add3A_252, %and3A_250 : vector<16xi32>
      %add3A_254 = arith.addi %bitcast_convert_type3A_244, %add3A_253 : vector<16xi32>
      %and3A_255 = arith.constant -65536 : i32
      %and3A_256 = vector.broadcast %and3A_255 : i32 to vector<16xi32>
      %and3A_257 = arith.andi %add3A_254, %and3A_256 : vector<16xi32>
      %bitcast_convert_type3A_258 = tpu.bitcast %and3A_257 : vector<16xi32> -> vector<16xf32>
      %mul3A_259 = arith.mulf %bitcast_convert_type3A_258, %bitcast_convert_type3A_54 : vector<16xf32>
      %add3A_260 = arith.addf %mul3A_240, %mul3A_259 : vector<16xf32>
      %eq3A_261 = arith.constant 3 : i32
      %eq3A_262 = vector.broadcast %eq3A_261 : i32 to vector<16xi32>
      %eq3A_263 = arith.cmpi eq, %iota3A, %eq3A_262 : vector<16xi32>
      %reduce_sum3A_264 = arith.constant true
      %reduce_sum3A_265 = vector.broadcast %reduce_sum3A_264 : i1 to vector<16xi1>
      %reduce_sum3A_266 = tpu.scan <sum>, %add3A_260 masked %reduce_sum3A_265 : vector<16xf32>, vector<16xi1> -> vector<16xf32>
      %reduce_sum3A_267 = vector.extract %reduce_sum3A_266[15] : f32 from vector<16xf32>
      %broadcast_in_dim3A_268 = vector.broadcast %reduce_sum3A_267 : f32 to vector<16xf32>
      %select_n3A_269 = arith.select %eq3A_263, %broadcast_in_dim3A_268, %select_n3A_217 : vector<16xi1>, vector<16xf32>
      %mul3A_270 = arith.constant 16 : i32
      %mul3A_271 = arith.muli %scan3A_62, %mul3A_270 : i32
      %add3A_272 = arith.constant 4 : i32
      %add3A_273 = arith.addi %mul3A_271, %add3A_272 : i32
      %get3A_274 = arith.index_cast %add3A_273 : i32 to index
      %get3A_275 = arith.constant 0 : index
      %get3A_276 = tpu.vector_load %arg7[%get3A_274, %get3A_275] {strides = array<i32>} : memref<320x32xf32, #tpu.memory_space<vmem>>, vector<16xf32>,
      %bitcast_convert_type3A_277 = tpu.bitcast %get3A_276 : vector<16xf32> -> vector<16xi32>
      %shift_right_logical3A_278 = arith.constant 16 : i32
      %shift_right_logical3A_279 = vector.broadcast %shift_right_logical3A_278 : i32 to vector<16xi32>
      %shift_right_logical3A_280 = arith.shrui %bitcast_convert_type3A_277, %shift_right_logical3A_279 : vector<16xi32>
      %and3A_281 = arith.constant 1 : i32
      %and3A_282 = vector.broadcast %and3A_281 : i32 to vector<16xi32>
      %and3A_283 = arith.andi %shift_right_logical3A_280, %and3A_282 : vector<16xi32>
      %add3A_284 = arith.constant 32767 : i32
      %add3A_285 = vector.broadcast %add3A_284 : i32 to vector<16xi32>
      %add3A_286 = arith.addi %add3A_285, %and3A_283 : vector<16xi32>
      %add3A_287 = arith.addi %bitcast_convert_type3A_277, %add3A_286 : vector<16xi32>
      %and3A_288 = arith.constant -65536 : i32
      %and3A_289 = vector.broadcast %and3A_288 : i32 to vector<16xi32>
      %and3A_290 = arith.andi %add3A_287, %and3A_289 : vector<16xi32>
      %bitcast_convert_type3A_291 = tpu.bitcast %and3A_290 : vector<16xi32> -> vector<16xf32>
      %mul3A_292 = arith.mulf %bitcast_convert_type3A_291, %bitcast_convert_type3A_36 : vector<16xf32>
      %get3A_293 = arith.index_cast %add3A_273 : i32 to index
      %get3A_294 = arith.constant 16 : index
      %get3A_295 = tpu.vector_load %arg7[%get3A_293, %get3A_294] {strides = array<i32>} : memref<320x32xf32, #tpu.memory_space<vmem>>, vector<16xf32>,
      %bitcast_convert_type3A_296 = tpu.bitcast %get3A_295 : vector<16xf32> -> vector<16xi32>
      %shift_right_logical3A_297 = arith.constant 16 : i32
      %shift_right_logical3A_298 = vector.broadcast %shift_right_logical3A_297 : i32 to vector<16xi32>
      %shift_right_logical3A_299 = arith.shrui %bitcast_convert_type3A_296, %shift_right_logical3A_298 : vector<16xi32>
      %and3A_300 = arith.constant 1 : i32
      %and3A_301 = vector.broadcast %and3A_300 : i32 to vector<16xi32>
      %and3A_302 = arith.andi %shift_right_logical3A_299, %and3A_301 : vector<16xi32>
      %add3A_303 = arith.constant 32767 : i32
      %add3A_304 = vector.broadcast %add3A_303 : i32 to vector<16xi32>
      %add3A_305 = arith.addi %add3A_304, %and3A_302 : vector<16xi32>
      %add3A_306 = arith.addi %bitcast_convert_type3A_296, %add3A_305 : vector<16xi32>
      %and3A_307 = arith.constant -65536 : i32
      %and3A_308 = vector.broadcast %and3A_307 : i32 to vector<16xi32>
      %and3A_309 = arith.andi %add3A_306, %and3A_308 : vector<16xi32>
      %bitcast_convert_type3A_310 = tpu.bitcast %and3A_309 : vector<16xi32> -> vector<16xf32>
      %mul3A_311 = arith.mulf %bitcast_convert_type3A_310, %bitcast_convert_type3A_54 : vector<16xf32>
      %add3A_312 = arith.addf %mul3A_292, %mul3A_311 : vector<16xf32>
      %eq3A_313 = arith.constant 4 : i32
      %eq3A_314 = vector.broadcast %eq3A_313 : i32 to vector<16xi32>
      %eq3A_315 = arith.cmpi eq, %iota3A, %eq3A_314 : vector<16xi32>
      %reduce_sum3A_316 = arith.constant true
      %reduce_sum3A_317 = vector.broadcast %reduce_sum3A_316 : i1 to vector<16xi1>
      %reduce_sum3A_318 = tpu.scan <sum>, %add3A_312 masked %reduce_sum3A_317 : vector<16xf32>, vector<16xi1> -> vector<16xf32>
      %reduce_sum3A_319 = vector.extract %reduce_sum3A_318[15] : f32 from vector<16xf32>
      %broadcast_in_dim3A_320 = vector.broadcast %reduce_sum3A_319 : f32 to vector<16xf32>
      %select_n3A_321 = arith.select %eq3A_315, %broadcast_in_dim3A_320, %select_n3A_269 : vector<16xi1>, vector<16xf32>
      %mul3A_322 = arith.constant 16 : i32
      %mul3A_323 = arith.muli %scan3A_62, %mul3A_322 : i32
      %add3A_324 = arith.constant 5 : i32
      %add3A_325 = arith.addi %mul3A_323, %add3A_324 : i32
      %get3A_326 = arith.index_cast %add3A_325 : i32 to index
      %get3A_327 = arith.constant 0 : index
      %get3A_328 = tpu.vector_load %arg7[%get3A_326, %get3A_327] {strides = array<i32>} : memref<320x32xf32, #tpu.memory_space<vmem>>, vector<16xf32>,
      %bitcast_convert_type3A_329 = tpu.bitcast %get3A_328 : vector<16xf32> -> vector<16xi32>
      %shift_right_logical3A_330 = arith.constant 16 : i32
      %shift_right_logical3A_331 = vector.broadcast %shift_right_logical3A_330 : i32 to vector<16xi32>
      %shift_right_logical3A_332 = arith.shrui %bitcast_convert_type3A_329, %shift_right_logical3A_331 : vector<16xi32>
      %and3A_333 = arith.constant 1 : i32
      %and3A_334 = vector.broadcast %and3A_333 : i32 to vector<16xi32>
      %and3A_335 = arith.andi %shift_right_logical3A_332, %and3A_334 : vector<16xi32>
      %add3A_336 = arith.constant 32767 : i32
      %add3A_337 = vector.broadcast %add3A_336 : i32 to vector<16xi32>
      %add3A_338 = arith.addi %add3A_337, %and3A_335 : vector<16xi32>
      %add3A_339 = arith.addi %bitcast_convert_type3A_329, %add3A_338 : vector<16xi32>
      %and3A_340 = arith.constant -65536 : i32
      %and3A_341 = vector.broadcast %and3A_340 : i32 to vector<16xi32>
      %and3A_342 = arith.andi %add3A_339, %and3A_341 : vector<16xi32>
      %bitcast_convert_type3A_343 = tpu.bitcast %and3A_342 : vector<16xi32> -> vector<16xf32>
      %mul3A_344 = arith.mulf %bitcast_convert_type3A_343, %bitcast_convert_type3A_36 : vector<16xf32>
      %get3A_345 = arith.index_cast %add3A_325 : i32 to index
      %get3A_346 = arith.constant 16 : index
      %get3A_347 = tpu.vector_load %arg7[%get3A_345, %get3A_346] {strides = array<i32>} : memref<320x32xf32, #tpu.memory_space<vmem>>, vector<16xf32>,
      %bitcast_convert_type3A_348 = tpu.bitcast %get3A_347 : vector<16xf32> -> vector<16xi32>
      %shift_right_logical3A_349 = arith.constant 16 : i32
      %shift_right_logical3A_350 = vector.broadcast %shift_right_logical3A_349 : i32 to vector<16xi32>
      %shift_right_logical3A_351 = arith.shrui %bitcast_convert_type3A_348, %shift_right_logical3A_350 : vector<16xi32>
      %and3A_352 = arith.constant 1 : i32
      %and3A_353 = vector.broadcast %and3A_352 : i32 to vector<16xi32>
      %and3A_354 = arith.andi %shift_right_logical3A_351, %and3A_353 : vector<16xi32>
      %add3A_355 = arith.constant 32767 : i32
      %add3A_356 = vector.broadcast %add3A_355 : i32 to vector<16xi32>
      %add3A_357 = arith.addi %add3A_356, %and3A_354 : vector<16xi32>
      %add3A_358 = arith.addi %bitcast_convert_type3A_348, %add3A_357 : vector<16xi32>
      %and3A_359 = arith.constant -65536 : i32
      %and3A_360 = vector.broadcast %and3A_359 : i32 to vector<16xi32>
      %and3A_361 = arith.andi %add3A_358, %and3A_360 : vector<16xi32>
      %bitcast_convert_type3A_362 = tpu.bitcast %and3A_361 : vector<16xi32> -> vector<16xf32>
      %mul3A_363 = arith.mulf %bitcast_convert_type3A_362, %bitcast_convert_type3A_54 : vector<16xf32>
      %add3A_364 = arith.addf %mul3A_344, %mul3A_363 : vector<16xf32>
      %eq3A_365 = arith.constant 5 : i32
      %eq3A_366 = vector.broadcast %eq3A_365 : i32 to vector<16xi32>
      %eq3A_367 = arith.cmpi eq, %iota3A, %eq3A_366 : vector<16xi32>
      %reduce_sum3A_368 = arith.constant true
      %reduce_sum3A_369 = vector.broadcast %reduce_sum3A_368 : i1 to vector<16xi1>
      %reduce_sum3A_370 = tpu.scan <sum>, %add3A_364 masked %reduce_sum3A_369 : vector<16xf32>, vector<16xi1> -> vector<16xf32>
      %reduce_sum3A_371 = vector.extract %reduce_sum3A_370[15] : f32 from vector<16xf32>
      %broadcast_in_dim3A_372 = vector.broadcast %reduce_sum3A_371 : f32 to vector<16xf32>
      %select_n3A_373 = arith.select %eq3A_367, %broadcast_in_dim3A_372, %select_n3A_321 : vector<16xi1>, vector<16xf32>
      %mul3A_374 = arith.constant 16 : i32
      %mul3A_375 = arith.muli %scan3A_62, %mul3A_374 : i32
      %add3A_376 = arith.constant 6 : i32
      %add3A_377 = arith.addi %mul3A_375, %add3A_376 : i32
      %get3A_378 = arith.index_cast %add3A_377 : i32 to index
      %get3A_379 = arith.constant 0 : index
      %get3A_380 = tpu.vector_load %arg7[%get3A_378, %get3A_379] {strides = array<i32>} : memref<320x32xf32, #tpu.memory_space<vmem>>, vector<16xf32>,
      %bitcast_convert_type3A_381 = tpu.bitcast %get3A_380 : vector<16xf32> -> vector<16xi32>
      %shift_right_logical3A_382 = arith.constant 16 : i32
      %shift_right_logical3A_383 = vector.broadcast %shift_right_logical3A_382 : i32 to vector<16xi32>
      %shift_right_logical3A_384 = arith.shrui %bitcast_convert_type3A_381, %shift_right_logical3A_383 : vector<16xi32>
      %and3A_385 = arith.constant 1 : i32
      %and3A_386 = vector.broadcast %and3A_385 : i32 to vector<16xi32>
      %and3A_387 = arith.andi %shift_right_logical3A_384, %and3A_386 : vector<16xi32>
      %add3A_388 = arith.constant 32767 : i32
      %add3A_389 = vector.broadcast %add3A_388 : i32 to vector<16xi32>
      %add3A_390 = arith.addi %add3A_389, %and3A_387 : vector<16xi32>
      %add3A_391 = arith.addi %bitcast_convert_type3A_381, %add3A_390 : vector<16xi32>
      %and3A_392 = arith.constant -65536 : i32
      %and3A_393 = vector.broadcast %and3A_392 : i32 to vector<16xi32>
      %and3A_394 = arith.andi %add3A_391, %and3A_393 : vector<16xi32>
      %bitcast_convert_type3A_395 = tpu.bitcast %and3A_394 : vector<16xi32> -> vector<16xf32>
      %mul3A_396 = arith.mulf %bitcast_convert_type3A_395, %bitcast_convert_type3A_36 : vector<16xf32>
      %get3A_397 = arith.index_cast %add3A_377 : i32 to index
      %get3A_398 = arith.constant 16 : index
      %get3A_399 = tpu.vector_load %arg7[%get3A_397, %get3A_398] {strides = array<i32>} : memref<320x32xf32, #tpu.memory_space<vmem>>, vector<16xf32>,
      %bitcast_convert_type3A_400 = tpu.bitcast %get3A_399 : vector<16xf32> -> vector<16xi32>
      %shift_right_logical3A_401 = arith.constant 16 : i32
      %shift_right_logical3A_402 = vector.broadcast %shift_right_logical3A_401 : i32 to vector<16xi32>
      %shift_right_logical3A_403 = arith.shrui %bitcast_convert_type3A_400, %shift_right_logical3A_402 : vector<16xi32>
      %and3A_404 = arith.constant 1 : i32
      %and3A_405 = vector.broadcast %and3A_404 : i32 to vector<16xi32>
      %and3A_406 = arith.andi %shift_right_logical3A_403, %and3A_405 : vector<16xi32>
      %add3A_407 = arith.constant 32767 : i32
      %add3A_408 = vector.broadcast %add3A_407 : i32 to vector<16xi32>
      %add3A_409 = arith.addi %add3A_408, %and3A_406 : vector<16xi32>
      %add3A_410 = arith.addi %bitcast_convert_type3A_400, %add3A_409 : vector<16xi32>
      %and3A_411 = arith.constant -65536 : i32
      %and3A_412 = vector.broadcast %and3A_411 : i32 to vector<16xi32>
      %and3A_413 = arith.andi %add3A_410, %and3A_412 : vector<16xi32>
      %bitcast_convert_type3A_414 = tpu.bitcast %and3A_413 : vector<16xi32> -> vector<16xf32>
      %mul3A_415 = arith.mulf %bitcast_convert_type3A_414, %bitcast_convert_type3A_54 : vector<16xf32>
      %add3A_416 = arith.addf %mul3A_396, %mul3A_415 : vector<16xf32>
      %eq3A_417 = arith.constant 6 : i32
      %eq3A_418 = vector.broadcast %eq3A_417 : i32 to vector<16xi32>
      %eq3A_419 = arith.cmpi eq, %iota3A, %eq3A_418 : vector<16xi32>
      %reduce_sum3A_420 = arith.constant true
      %reduce_sum3A_421 = vector.broadcast %reduce_sum3A_420 : i1 to vector<16xi1>
      %reduce_sum3A_422 = tpu.scan <sum>, %add3A_416 masked %reduce_sum3A_421 : vector<16xf32>, vector<16xi1> -> vector<16xf32>
      %reduce_sum3A_423 = vector.extract %reduce_sum3A_422[15] : f32 from vector<16xf32>
      %broadcast_in_dim3A_424 = vector.broadcast %reduce_sum3A_423 : f32 to vector<16xf32>
      %select_n3A_425 = arith.select %eq3A_419, %broadcast_in_dim3A_424, %select_n3A_373 : vector<16xi1>, vector<16xf32>
      %mul3A_426 = arith.constant 16 : i32
      %mul3A_427 = arith.muli %scan3A_62, %mul3A_426 : i32
      %add3A_428 = arith.constant 7 : i32
      %add3A_429 = arith.addi %mul3A_427, %add3A_428 : i32
      %get3A_430 = arith.index_cast %add3A_429 : i32 to index
      %get3A_431 = arith.constant 0 : index
      %get3A_432 = tpu.vector_load %arg7[%get3A_430, %get3A_431] {strides = array<i32>} : memref<320x32xf32, #tpu.memory_space<vmem>>, vector<16xf32>,
      %bitcast_convert_type3A_433 = tpu.bitcast %get3A_432 : vector<16xf32> -> vector<16xi32>
      %shift_right_logical3A_434 = arith.constant 16 : i32
      %shift_right_logical3A_435 = vector.broadcast %shift_right_logical3A_434 : i32 to vector<16xi32>
      %shift_right_logical3A_436 = arith.shrui %bitcast_convert_type3A_433, %shift_right_logical3A_435 : vector<16xi32>
      %and3A_437 = arith.constant 1 : i32
      %and3A_438 = vector.broadcast %and3A_437 : i32 to vector<16xi32>
      %and3A_439 = arith.andi %shift_right_logical3A_436, %and3A_438 : vector<16xi32>
      %add3A_440 = arith.constant 32767 : i32
      %add3A_441 = vector.broadcast %add3A_440 : i32 to vector<16xi32>
      %add3A_442 = arith.addi %add3A_441, %and3A_439 : vector<16xi32>
      %add3A_443 = arith.addi %bitcast_convert_type3A_433, %add3A_442 : vector<16xi32>
      %and3A_444 = arith.constant -65536 : i32
      %and3A_445 = vector.broadcast %and3A_444 : i32 to vector<16xi32>
      %and3A_446 = arith.andi %add3A_443, %and3A_445 : vector<16xi32>
      %bitcast_convert_type3A_447 = tpu.bitcast %and3A_446 : vector<16xi32> -> vector<16xf32>
      %mul3A_448 = arith.mulf %bitcast_convert_type3A_447, %bitcast_convert_type3A_36 : vector<16xf32>
      %get3A_449 = arith.index_cast %add3A_429 : i32 to index
      %get3A_450 = arith.constant 16 : index
      %get3A_451 = tpu.vector_load %arg7[%get3A_449, %get3A_450] {strides = array<i32>} : memref<320x32xf32, #tpu.memory_space<vmem>>, vector<16xf32>,
      %bitcast_convert_type3A_452 = tpu.bitcast %get3A_451 : vector<16xf32> -> vector<16xi32>
      %shift_right_logical3A_453 = arith.constant 16 : i32
      %shift_right_logical3A_454 = vector.broadcast %shift_right_logical3A_453 : i32 to vector<16xi32>
      %shift_right_logical3A_455 = arith.shrui %bitcast_convert_type3A_452, %shift_right_logical3A_454 : vector<16xi32>
      %and3A_456 = arith.constant 1 : i32
      %and3A_457 = vector.broadcast %and3A_456 : i32 to vector<16xi32>
      %and3A_458 = arith.andi %shift_right_logical3A_455, %and3A_457 : vector<16xi32>
      %add3A_459 = arith.constant 32767 : i32
      %add3A_460 = vector.broadcast %add3A_459 : i32 to vector<16xi32>
      %add3A_461 = arith.addi %add3A_460, %and3A_458 : vector<16xi32>
      %add3A_462 = arith.addi %bitcast_convert_type3A_452, %add3A_461 : vector<16xi32>
      %and3A_463 = arith.constant -65536 : i32
      %and3A_464 = vector.broadcast %and3A_463 : i32 to vector<16xi32>
      %and3A_465 = arith.andi %add3A_462, %and3A_464 : vector<16xi32>
      %bitcast_convert_type3A_466 = tpu.bitcast %and3A_465 : vector<16xi32> -> vector<16xf32>
      %mul3A_467 = arith.mulf %bitcast_convert_type3A_466, %bitcast_convert_type3A_54 : vector<16xf32>
      %add3A_468 = arith.addf %mul3A_448, %mul3A_467 : vector<16xf32>
      %eq3A_469 = arith.constant 7 : i32
      %eq3A_470 = vector.broadcast %eq3A_469 : i32 to vector<16xi32>
      %eq3A_471 = arith.cmpi eq, %iota3A, %eq3A_470 : vector<16xi32>
      %reduce_sum3A_472 = arith.constant true
      %reduce_sum3A_473 = vector.broadcast %reduce_sum3A_472 : i1 to vector<16xi1>
      %reduce_sum3A_474 = tpu.scan <sum>, %add3A_468 masked %reduce_sum3A_473 : vector<16xf32>, vector<16xi1> -> vector<16xf32>
      %reduce_sum3A_475 = vector.extract %reduce_sum3A_474[15] : f32 from vector<16xf32>
      %broadcast_in_dim3A_476 = vector.broadcast %reduce_sum3A_475 : f32 to vector<16xf32>
      %select_n3A_477 = arith.select %eq3A_471, %broadcast_in_dim3A_476, %select_n3A_425 : vector<16xi1>, vector<16xf32>
      %mul3A_478 = arith.constant 16 : i32
      %mul3A_479 = arith.muli %scan3A_62, %mul3A_478 : i32
      %add3A_480 = arith.constant 8 : i32
      %add3A_481 = arith.addi %mul3A_479, %add3A_480 : i32
      %get3A_482 = arith.index_cast %add3A_481 : i32 to index
      %get3A_483 = arith.constant 0 : index
      %get3A_484 = tpu.vector_load %arg7[%get3A_482, %get3A_483] {strides = array<i32>} : memref<320x32xf32, #tpu.memory_space<vmem>>, vector<16xf32>,
      %bitcast_convert_type3A_485 = tpu.bitcast %get3A_484 : vector<16xf32> -> vector<16xi32>
      %shift_right_logical3A_486 = arith.constant 16 : i32
      %shift_right_logical3A_487 = vector.broadcast %shift_right_logical3A_486 : i32 to vector<16xi32>
      %shift_right_logical3A_488 = arith.shrui %bitcast_convert_type3A_485, %shift_right_logical3A_487 : vector<16xi32>
      %and3A_489 = arith.constant 1 : i32
      %and3A_490 = vector.broadcast %and3A_489 : i32 to vector<16xi32>
      %and3A_491 = arith.andi %shift_right_logical3A_488, %and3A_490 : vector<16xi32>
      %add3A_492 = arith.constant 32767 : i32
      %add3A_493 = vector.broadcast %add3A_492 : i32 to vector<16xi32>
      %add3A_494 = arith.addi %add3A_493, %and3A_491 : vector<16xi32>
      %add3A_495 = arith.addi %bitcast_convert_type3A_485, %add3A_494 : vector<16xi32>
      %and3A_496 = arith.constant -65536 : i32
      %and3A_497 = vector.broadcast %and3A_496 : i32 to vector<16xi32>
      %and3A_498 = arith.andi %add3A_495, %and3A_497 : vector<16xi32>
      %bitcast_convert_type3A_499 = tpu.bitcast %and3A_498 : vector<16xi32> -> vector<16xf32>
      %mul3A_500 = arith.mulf %bitcast_convert_type3A_499, %bitcast_convert_type3A_36 : vector<16xf32>
      %get3A_501 = arith.index_cast %add3A_481 : i32 to index
      %get3A_502 = arith.constant 16 : index
      %get3A_503 = tpu.vector_load %arg7[%get3A_501, %get3A_502] {strides = array<i32>} : memref<320x32xf32, #tpu.memory_space<vmem>>, vector<16xf32>,
      %bitcast_convert_type3A_504 = tpu.bitcast %get3A_503 : vector<16xf32> -> vector<16xi32>
      %shift_right_logical3A_505 = arith.constant 16 : i32
      %shift_right_logical3A_506 = vector.broadcast %shift_right_logical3A_505 : i32 to vector<16xi32>
      %shift_right_logical3A_507 = arith.shrui %bitcast_convert_type3A_504, %shift_right_logical3A_506 : vector<16xi32>
      %and3A_508 = arith.constant 1 : i32
      %and3A_509 = vector.broadcast %and3A_508 : i32 to vector<16xi32>
      %and3A_510 = arith.andi %shift_right_logical3A_507, %and3A_509 : vector<16xi32>
      %add3A_511 = arith.constant 32767 : i32
      %add3A_512 = vector.broadcast %add3A_511 : i32 to vector<16xi32>
      %add3A_513 = arith.addi %add3A_512, %and3A_510 : vector<16xi32>
      %add3A_514 = arith.addi %bitcast_convert_type3A_504, %add3A_513 : vector<16xi32>
      %and3A_515 = arith.constant -65536 : i32
      %and3A_516 = vector.broadcast %and3A_515 : i32 to vector<16xi32>
      %and3A_517 = arith.andi %add3A_514, %and3A_516 : vector<16xi32>
      %bitcast_convert_type3A_518 = tpu.bitcast %and3A_517 : vector<16xi32> -> vector<16xf32>
      %mul3A_519 = arith.mulf %bitcast_convert_type3A_518, %bitcast_convert_type3A_54 : vector<16xf32>
      %add3A_520 = arith.addf %mul3A_500, %mul3A_519 : vector<16xf32>
      %eq3A_521 = arith.constant 8 : i32
      %eq3A_522 = vector.broadcast %eq3A_521 : i32 to vector<16xi32>
      %eq3A_523 = arith.cmpi eq, %iota3A, %eq3A_522 : vector<16xi32>
      %reduce_sum3A_524 = arith.constant true
      %reduce_sum3A_525 = vector.broadcast %reduce_sum3A_524 : i1 to vector<16xi1>
      %reduce_sum3A_526 = tpu.scan <sum>, %add3A_520 masked %reduce_sum3A_525 : vector<16xf32>, vector<16xi1> -> vector<16xf32>
      %reduce_sum3A_527 = vector.extract %reduce_sum3A_526[15] : f32 from vector<16xf32>
      %broadcast_in_dim3A_528 = vector.broadcast %reduce_sum3A_527 : f32 to vector<16xf32>
      %select_n3A_529 = arith.select %eq3A_523, %broadcast_in_dim3A_528, %select_n3A_477 : vector<16xi1>, vector<16xf32>
      %mul3A_530 = arith.constant 16 : i32
      %mul3A_531 = arith.muli %scan3A_62, %mul3A_530 : i32
      %add3A_532 = arith.constant 9 : i32
      %add3A_533 = arith.addi %mul3A_531, %add3A_532 : i32
      %get3A_534 = arith.index_cast %add3A_533 : i32 to index
      %get3A_535 = arith.constant 0 : index
      %get3A_536 = tpu.vector_load %arg7[%get3A_534, %get3A_535] {strides = array<i32>} : memref<320x32xf32, #tpu.memory_space<vmem>>, vector<16xf32>,
      %bitcast_convert_type3A_537 = tpu.bitcast %get3A_536 : vector<16xf32> -> vector<16xi32>
      %shift_right_logical3A_538 = arith.constant 16 : i32
      %shift_right_logical3A_539 = vector.broadcast %shift_right_logical3A_538 : i32 to vector<16xi32>
      %shift_right_logical3A_540 = arith.shrui %bitcast_convert_type3A_537, %shift_right_logical3A_539 : vector<16xi32>
      %and3A_541 = arith.constant 1 : i32
      %and3A_542 = vector.broadcast %and3A_541 : i32 to vector<16xi32>
      %and3A_543 = arith.andi %shift_right_logical3A_540, %and3A_542 : vector<16xi32>
      %add3A_544 = arith.constant 32767 : i32
      %add3A_545 = vector.broadcast %add3A_544 : i32 to vector<16xi32>
      %add3A_546 = arith.addi %add3A_545, %and3A_543 : vector<16xi32>
      %add3A_547 = arith.addi %bitcast_convert_type3A_537, %add3A_546 : vector<16xi32>
      %and3A_548 = arith.constant -65536 : i32
      %and3A_549 = vector.broadcast %and3A_548 : i32 to vector<16xi32>
      %and3A_550 = arith.andi %add3A_547, %and3A_549 : vector<16xi32>
      %bitcast_convert_type3A_551 = tpu.bitcast %and3A_550 : vector<16xi32> -> vector<16xf32>
      %mul3A_552 = arith.mulf %bitcast_convert_type3A_551, %bitcast_convert_type3A_36 : vector<16xf32>
      %get3A_553 = arith.index_cast %add3A_533 : i32 to index
      %get3A_554 = arith.constant 16 : index
      %get3A_555 = tpu.vector_load %arg7[%get3A_553, %get3A_554] {strides = array<i32>} : memref<320x32xf32, #tpu.memory_space<vmem>>, vector<16xf32>,
      %bitcast_convert_type3A_556 = tpu.bitcast %get3A_555 : vector<16xf32> -> vector<16xi32>
      %shift_right_logical3A_557 = arith.constant 16 : i32
      %shift_right_logical3A_558 = vector.broadcast %shift_right_logical3A_557 : i32 to vector<16xi32>
      %shift_right_logical3A_559 = arith.shrui %bitcast_convert_type3A_556, %shift_right_logical3A_558 : vector<16xi32>
      %and3A_560 = arith.constant 1 : i32
      %and3A_561 = vector.broadcast %and3A_560 : i32 to vector<16xi32>
      %and3A_562 = arith.andi %shift_right_logical3A_559, %and3A_561 : vector<16xi32>
      %add3A_563 = arith.constant 32767 : i32
      %add3A_564 = vector.broadcast %add3A_563 : i32 to vector<16xi32>
      %add3A_565 = arith.addi %add3A_564, %and3A_562 : vector<16xi32>
      %add3A_566 = arith.addi %bitcast_convert_type3A_556, %add3A_565 : vector<16xi32>
      %and3A_567 = arith.constant -65536 : i32
      %and3A_568 = vector.broadcast %and3A_567 : i32 to vector<16xi32>
      %and3A_569 = arith.andi %add3A_566, %and3A_568 : vector<16xi32>
      %bitcast_convert_type3A_570 = tpu.bitcast %and3A_569 : vector<16xi32> -> vector<16xf32>
      %mul3A_571 = arith.mulf %bitcast_convert_type3A_570, %bitcast_convert_type3A_54 : vector<16xf32>
      %add3A_572 = arith.addf %mul3A_552, %mul3A_571 : vector<16xf32>
      %eq3A_573 = arith.constant 9 : i32
      %eq3A_574 = vector.broadcast %eq3A_573 : i32 to vector<16xi32>
      %eq3A_575 = arith.cmpi eq, %iota3A, %eq3A_574 : vector<16xi32>
      %reduce_sum3A_576 = arith.constant true
      %reduce_sum3A_577 = vector.broadcast %reduce_sum3A_576 : i1 to vector<16xi1>
      %reduce_sum3A_578 = tpu.scan <sum>, %add3A_572 masked %reduce_sum3A_577 : vector<16xf32>, vector<16xi1> -> vector<16xf32>
      %reduce_sum3A_579 = vector.extract %reduce_sum3A_578[15] : f32 from vector<16xf32>
      %broadcast_in_dim3A_580 = vector.broadcast %reduce_sum3A_579 : f32 to vector<16xf32>
      %select_n3A_581 = arith.select %eq3A_575, %broadcast_in_dim3A_580, %select_n3A_529 : vector<16xi1>, vector<16xf32>
      %mul3A_582 = arith.constant 16 : i32
      %mul3A_583 = arith.muli %scan3A_62, %mul3A_582 : i32
      %add3A_584 = arith.constant 10 : i32
      %add3A_585 = arith.addi %mul3A_583, %add3A_584 : i32
      %get3A_586 = arith.index_cast %add3A_585 : i32 to index
      %get3A_587 = arith.constant 0 : index
      %get3A_588 = tpu.vector_load %arg7[%get3A_586, %get3A_587] {strides = array<i32>} : memref<320x32xf32, #tpu.memory_space<vmem>>, vector<16xf32>,
      %bitcast_convert_type3A_589 = tpu.bitcast %get3A_588 : vector<16xf32> -> vector<16xi32>
      %shift_right_logical3A_590 = arith.constant 16 : i32
      %shift_right_logical3A_591 = vector.broadcast %shift_right_logical3A_590 : i32 to vector<16xi32>
      %shift_right_logical3A_592 = arith.shrui %bitcast_convert_type3A_589, %shift_right_logical3A_591 : vector<16xi32>
      %and3A_593 = arith.constant 1 : i32
      %and3A_594 = vector.broadcast %and3A_593 : i32 to vector<16xi32>
      %and3A_595 = arith.andi %shift_right_logical3A_592, %and3A_594 : vector<16xi32>
      %add3A_596 = arith.constant 32767 : i32
      %add3A_597 = vector.broadcast %add3A_596 : i32 to vector<16xi32>
      %add3A_598 = arith.addi %add3A_597, %and3A_595 : vector<16xi32>
      %add3A_599 = arith.addi %bitcast_convert_type3A_589, %add3A_598 : vector<16xi32>
      %and3A_600 = arith.constant -65536 : i32
      %and3A_601 = vector.broadcast %and3A_600 : i32 to vector<16xi32>
      %and3A_602 = arith.andi %add3A_599, %and3A_601 : vector<16xi32>
      %bitcast_convert_type3A_603 = tpu.bitcast %and3A_602 : vector<16xi32> -> vector<16xf32>
      %mul3A_604 = arith.mulf %bitcast_convert_type3A_603, %bitcast_convert_type3A_36 : vector<16xf32>
      %get3A_605 = arith.index_cast %add3A_585 : i32 to index
      %get3A_606 = arith.constant 16 : index
      %get3A_607 = tpu.vector_load %arg7[%get3A_605, %get3A_606] {strides = array<i32>} : memref<320x32xf32, #tpu.memory_space<vmem>>, vector<16xf32>,
      %bitcast_convert_type3A_608 = tpu.bitcast %get3A_607 : vector<16xf32> -> vector<16xi32>
      %shift_right_logical3A_609 = arith.constant 16 : i32
      %shift_right_logical3A_610 = vector.broadcast %shift_right_logical3A_609 : i32 to vector<16xi32>
      %shift_right_logical3A_611 = arith.shrui %bitcast_convert_type3A_608, %shift_right_logical3A_610 : vector<16xi32>
      %and3A_612 = arith.constant 1 : i32
      %and3A_613 = vector.broadcast %and3A_612 : i32 to vector<16xi32>
      %and3A_614 = arith.andi %shift_right_logical3A_611, %and3A_613 : vector<16xi32>
      %add3A_615 = arith.constant 32767 : i32
      %add3A_616 = vector.broadcast %add3A_615 : i32 to vector<16xi32>
      %add3A_617 = arith.addi %add3A_616, %and3A_614 : vector<16xi32>
      %add3A_618 = arith.addi %bitcast_convert_type3A_608, %add3A_617 : vector<16xi32>
      %and3A_619 = arith.constant -65536 : i32
      %and3A_620 = vector.broadcast %and3A_619 : i32 to vector<16xi32>
      %and3A_621 = arith.andi %add3A_618, %and3A_620 : vector<16xi32>
      %bitcast_convert_type3A_622 = tpu.bitcast %and3A_621 : vector<16xi32> -> vector<16xf32>
      %mul3A_623 = arith.mulf %bitcast_convert_type3A_622, %bitcast_convert_type3A_54 : vector<16xf32>
      %add3A_624 = arith.addf %mul3A_604, %mul3A_623 : vector<16xf32>
      %eq3A_625 = arith.constant 10 : i32
      %eq3A_626 = vector.broadcast %eq3A_625 : i32 to vector<16xi32>
      %eq3A_627 = arith.cmpi eq, %iota3A, %eq3A_626 : vector<16xi32>
      %reduce_sum3A_628 = arith.constant true
      %reduce_sum3A_629 = vector.broadcast %reduce_sum3A_628 : i1 to vector<16xi1>
      %reduce_sum3A_630 = tpu.scan <sum>, %add3A_624 masked %reduce_sum3A_629 : vector<16xf32>, vector<16xi1> -> vector<16xf32>
      %reduce_sum3A_631 = vector.extract %reduce_sum3A_630[15] : f32 from vector<16xf32>
      %broadcast_in_dim3A_632 = vector.broadcast %reduce_sum3A_631 : f32 to vector<16xf32>
      %select_n3A_633 = arith.select %eq3A_627, %broadcast_in_dim3A_632, %select_n3A_581 : vector<16xi1>, vector<16xf32>
      %mul3A_634 = arith.constant 16 : i32
      %mul3A_635 = arith.muli %scan3A_62, %mul3A_634 : i32
      %add3A_636 = arith.constant 11 : i32
      %add3A_637 = arith.addi %mul3A_635, %add3A_636 : i32
      %get3A_638 = arith.index_cast %add3A_637 : i32 to index
      %get3A_639 = arith.constant 0 : index
      %get3A_640 = tpu.vector_load %arg7[%get3A_638, %get3A_639] {strides = array<i32>} : memref<320x32xf32, #tpu.memory_space<vmem>>, vector<16xf32>,
      %bitcast_convert_type3A_641 = tpu.bitcast %get3A_640 : vector<16xf32> -> vector<16xi32>
      %shift_right_logical3A_642 = arith.constant 16 : i32
      %shift_right_logical3A_643 = vector.broadcast %shift_right_logical3A_642 : i32 to vector<16xi32>
      %shift_right_logical3A_644 = arith.shrui %bitcast_convert_type3A_641, %shift_right_logical3A_643 : vector<16xi32>
      %and3A_645 = arith.constant 1 : i32
      %and3A_646 = vector.broadcast %and3A_645 : i32 to vector<16xi32>
      %and3A_647 = arith.andi %shift_right_logical3A_644, %and3A_646 : vector<16xi32>
      %add3A_648 = arith.constant 32767 : i32
      %add3A_649 = vector.broadcast %add3A_648 : i32 to vector<16xi32>
      %add3A_650 = arith.addi %add3A_649, %and3A_647 : vector<16xi32>
      %add3A_651 = arith.addi %bitcast_convert_type3A_641, %add3A_650 : vector<16xi32>
      %and3A_652 = arith.constant -65536 : i32
      %and3A_653 = vector.broadcast %and3A_652 : i32 to vector<16xi32>
      %and3A_654 = arith.andi %add3A_651, %and3A_653 : vector<16xi32>
      %bitcast_convert_type3A_655 = tpu.bitcast %and3A_654 : vector<16xi32> -> vector<16xf32>
      %mul3A_656 = arith.mulf %bitcast_convert_type3A_655, %bitcast_convert_type3A_36 : vector<16xf32>
      %get3A_657 = arith.index_cast %add3A_637 : i32 to index
      %get3A_658 = arith.constant 16 : index
      %get3A_659 = tpu.vector_load %arg7[%get3A_657, %get3A_658] {strides = array<i32>} : memref<320x32xf32, #tpu.memory_space<vmem>>, vector<16xf32>,
      %bitcast_convert_type3A_660 = tpu.bitcast %get3A_659 : vector<16xf32> -> vector<16xi32>
      %shift_right_logical3A_661 = arith.constant 16 : i32
      %shift_right_logical3A_662 = vector.broadcast %shift_right_logical3A_661 : i32 to vector<16xi32>
      %shift_right_logical3A_663 = arith.shrui %bitcast_convert_type3A_660, %shift_right_logical3A_662 : vector<16xi32>
      %and3A_664 = arith.constant 1 : i32
      %and3A_665 = vector.broadcast %and3A_664 : i32 to vector<16xi32>
      %and3A_666 = arith.andi %shift_right_logical3A_663, %and3A_665 : vector<16xi32>
      %add3A_667 = arith.constant 32767 : i32
      %add3A_668 = vector.broadcast %add3A_667 : i32 to vector<16xi32>
      %add3A_669 = arith.addi %add3A_668, %and3A_666 : vector<16xi32>
      %add3A_670 = arith.addi %bitcast_convert_type3A_660, %add3A_669 : vector<16xi32>
      %and3A_671 = arith.constant -65536 : i32
      %and3A_672 = vector.broadcast %and3A_671 : i32 to vector<16xi32>
      %and3A_673 = arith.andi %add3A_670, %and3A_672 : vector<16xi32>
      %bitcast_convert_type3A_674 = tpu.bitcast %and3A_673 : vector<16xi32> -> vector<16xf32>
      %mul3A_675 = arith.mulf %bitcast_convert_type3A_674, %bitcast_convert_type3A_54 : vector<16xf32>
      %add3A_676 = arith.addf %mul3A_656, %mul3A_675 : vector<16xf32>
      %eq3A_677 = arith.constant 11 : i32
      %eq3A_678 = vector.broadcast %eq3A_677 : i32 to vector<16xi32>
      %eq3A_679 = arith.cmpi eq, %iota3A, %eq3A_678 : vector<16xi32>
      %reduce_sum3A_680 = arith.constant true
      %reduce_sum3A_681 = vector.broadcast %reduce_sum3A_680 : i1 to vector<16xi1>
      %reduce_sum3A_682 = tpu.scan <sum>, %add3A_676 masked %reduce_sum3A_681 : vector<16xf32>, vector<16xi1> -> vector<16xf32>
      %reduce_sum3A_683 = vector.extract %reduce_sum3A_682[15] : f32 from vector<16xf32>
      %broadcast_in_dim3A_684 = vector.broadcast %reduce_sum3A_683 : f32 to vector<16xf32>
      %select_n3A_685 = arith.select %eq3A_679, %broadcast_in_dim3A_684, %select_n3A_633 : vector<16xi1>, vector<16xf32>
      %mul3A_686 = arith.constant 16 : i32
      %mul3A_687 = arith.muli %scan3A_62, %mul3A_686 : i32
      %add3A_688 = arith.constant 12 : i32
      %add3A_689 = arith.addi %mul3A_687, %add3A_688 : i32
      %get3A_690 = arith.index_cast %add3A_689 : i32 to index
      %get3A_691 = arith.constant 0 : index
      %get3A_692 = tpu.vector_load %arg7[%get3A_690, %get3A_691] {strides = array<i32>} : memref<320x32xf32, #tpu.memory_space<vmem>>, vector<16xf32>,
      %bitcast_convert_type3A_693 = tpu.bitcast %get3A_692 : vector<16xf32> -> vector<16xi32>
      %shift_right_logical3A_694 = arith.constant 16 : i32
      %shift_right_logical3A_695 = vector.broadcast %shift_right_logical3A_694 : i32 to vector<16xi32>
      %shift_right_logical3A_696 = arith.shrui %bitcast_convert_type3A_693, %shift_right_logical3A_695 : vector<16xi32>
      %and3A_697 = arith.constant 1 : i32
      %and3A_698 = vector.broadcast %and3A_697 : i32 to vector<16xi32>
      %and3A_699 = arith.andi %shift_right_logical3A_696, %and3A_698 : vector<16xi32>
      %add3A_700 = arith.constant 32767 : i32
      %add3A_701 = vector.broadcast %add3A_700 : i32 to vector<16xi32>
      %add3A_702 = arith.addi %add3A_701, %and3A_699 : vector<16xi32>
      %add3A_703 = arith.addi %bitcast_convert_type3A_693, %add3A_702 : vector<16xi32>
      %and3A_704 = arith.constant -65536 : i32
      %and3A_705 = vector.broadcast %and3A_704 : i32 to vector<16xi32>
      %and3A_706 = arith.andi %add3A_703, %and3A_705 : vector<16xi32>
      %bitcast_convert_type3A_707 = tpu.bitcast %and3A_706 : vector<16xi32> -> vector<16xf32>
      %mul3A_708 = arith.mulf %bitcast_convert_type3A_707, %bitcast_convert_type3A_36 : vector<16xf32>
      %get3A_709 = arith.index_cast %add3A_689 : i32 to index
      %get3A_710 = arith.constant 16 : index
      %get3A_711 = tpu.vector_load %arg7[%get3A_709, %get3A_710] {strides = array<i32>} : memref<320x32xf32, #tpu.memory_space<vmem>>, vector<16xf32>,
      %bitcast_convert_type3A_712 = tpu.bitcast %get3A_711 : vector<16xf32> -> vector<16xi32>
      %shift_right_logical3A_713 = arith.constant 16 : i32
      %shift_right_logical3A_714 = vector.broadcast %shift_right_logical3A_713 : i32 to vector<16xi32>
      %shift_right_logical3A_715 = arith.shrui %bitcast_convert_type3A_712, %shift_right_logical3A_714 : vector<16xi32>
      %and3A_716 = arith.constant 1 : i32
      %and3A_717 = vector.broadcast %and3A_716 : i32 to vector<16xi32>
      %and3A_718 = arith.andi %shift_right_logical3A_715, %and3A_717 : vector<16xi32>
      %add3A_719 = arith.constant 32767 : i32
      %add3A_720 = vector.broadcast %add3A_719 : i32 to vector<16xi32>
      %add3A_721 = arith.addi %add3A_720, %and3A_718 : vector<16xi32>
      %add3A_722 = arith.addi %bitcast_convert_type3A_712, %add3A_721 : vector<16xi32>
      %and3A_723 = arith.constant -65536 : i32
      %and3A_724 = vector.broadcast %and3A_723 : i32 to vector<16xi32>
      %and3A_725 = arith.andi %add3A_722, %and3A_724 : vector<16xi32>
      %bitcast_convert_type3A_726 = tpu.bitcast %and3A_725 : vector<16xi32> -> vector<16xf32>
      %mul3A_727 = arith.mulf %bitcast_convert_type3A_726, %bitcast_convert_type3A_54 : vector<16xf32>
      %add3A_728 = arith.addf %mul3A_708, %mul3A_727 : vector<16xf32>
      %eq3A_729 = arith.constant 12 : i32
      %eq3A_730 = vector.broadcast %eq3A_729 : i32 to vector<16xi32>
      %eq3A_731 = arith.cmpi eq, %iota3A, %eq3A_730 : vector<16xi32>
      %reduce_sum3A_732 = arith.constant true
      %reduce_sum3A_733 = vector.broadcast %reduce_sum3A_732 : i1 to vector<16xi1>
      %reduce_sum3A_734 = tpu.scan <sum>, %add3A_728 masked %reduce_sum3A_733 : vector<16xf32>, vector<16xi1> -> vector<16xf32>
      %reduce_sum3A_735 = vector.extract %reduce_sum3A_734[15] : f32 from vector<16xf32>
      %broadcast_in_dim3A_736 = vector.broadcast %reduce_sum3A_735 : f32 to vector<16xf32>
      %select_n3A_737 = arith.select %eq3A_731, %broadcast_in_dim3A_736, %select_n3A_685 : vector<16xi1>, vector<16xf32>
      %mul3A_738 = arith.constant 16 : i32
      %mul3A_739 = arith.muli %scan3A_62, %mul3A_738 : i32
      %add3A_740 = arith.constant 13 : i32
      %add3A_741 = arith.addi %mul3A_739, %add3A_740 : i32
      %get3A_742 = arith.index_cast %add3A_741 : i32 to index
      %get3A_743 = arith.constant 0 : index
      %get3A_744 = tpu.vector_load %arg7[%get3A_742, %get3A_743] {strides = array<i32>} : memref<320x32xf32, #tpu.memory_space<vmem>>, vector<16xf32>,
      %bitcast_convert_type3A_745 = tpu.bitcast %get3A_744 : vector<16xf32> -> vector<16xi32>
      %shift_right_logical3A_746 = arith.constant 16 : i32
      %shift_right_logical3A_747 = vector.broadcast %shift_right_logical3A_746 : i32 to vector<16xi32>
      %shift_right_logical3A_748 = arith.shrui %bitcast_convert_type3A_745, %shift_right_logical3A_747 : vector<16xi32>
      %and3A_749 = arith.constant 1 : i32
      %and3A_750 = vector.broadcast %and3A_749 : i32 to vector<16xi32>
      %and3A_751 = arith.andi %shift_right_logical3A_748, %and3A_750 : vector<16xi32>
      %add3A_752 = arith.constant 32767 : i32
      %add3A_753 = vector.broadcast %add3A_752 : i32 to vector<16xi32>
      %add3A_754 = arith.addi %add3A_753, %and3A_751 : vector<16xi32>
      %add3A_755 = arith.addi %bitcast_convert_type3A_745, %add3A_754 : vector<16xi32>
      %and3A_756 = arith.constant -65536 : i32
      %and3A_757 = vector.broadcast %and3A_756 : i32 to vector<16xi32>
      %and3A_758 = arith.andi %add3A_755, %and3A_757 : vector<16xi32>
      %bitcast_convert_type3A_759 = tpu.bitcast %and3A_758 : vector<16xi32> -> vector<16xf32>
      %mul3A_760 = arith.mulf %bitcast_convert_type3A_759, %bitcast_convert_type3A_36 : vector<16xf32>
      %get3A_761 = arith.index_cast %add3A_741 : i32 to index
      %get3A_762 = arith.constant 16 : index
      %get3A_763 = tpu.vector_load %arg7[%get3A_761, %get3A_762] {strides = array<i32>} : memref<320x32xf32, #tpu.memory_space<vmem>>, vector<16xf32>,
      %bitcast_convert_type3A_764 = tpu.bitcast %get3A_763 : vector<16xf32> -> vector<16xi32>
      %shift_right_logical3A_765 = arith.constant 16 : i32
      %shift_right_logical3A_766 = vector.broadcast %shift_right_logical3A_765 : i32 to vector<16xi32>
      %shift_right_logical3A_767 = arith.shrui %bitcast_convert_type3A_764, %shift_right_logical3A_766 : vector<16xi32>
      %and3A_768 = arith.constant 1 : i32
      %and3A_769 = vector.broadcast %and3A_768 : i32 to vector<16xi32>
      %and3A_770 = arith.andi %shift_right_logical3A_767, %and3A_769 : vector<16xi32>
      %add3A_771 = arith.constant 32767 : i32
      %add3A_772 = vector.broadcast %add3A_771 : i32 to vector<16xi32>
      %add3A_773 = arith.addi %add3A_772, %and3A_770 : vector<16xi32>
      %add3A_774 = arith.addi %bitcast_convert_type3A_764, %add3A_773 : vector<16xi32>
      %and3A_775 = arith.constant -65536 : i32
      %and3A_776 = vector.broadcast %and3A_775 : i32 to vector<16xi32>
      %and3A_777 = arith.andi %add3A_774, %and3A_776 : vector<16xi32>
      %bitcast_convert_type3A_778 = tpu.bitcast %and3A_777 : vector<16xi32> -> vector<16xf32>
      %mul3A_779 = arith.mulf %bitcast_convert_type3A_778, %bitcast_convert_type3A_54 : vector<16xf32>
      %add3A_780 = arith.addf %mul3A_760, %mul3A_779 : vector<16xf32>
      %eq3A_781 = arith.constant 13 : i32
      %eq3A_782 = vector.broadcast %eq3A_781 : i32 to vector<16xi32>
      %eq3A_783 = arith.cmpi eq, %iota3A, %eq3A_782 : vector<16xi32>
      %reduce_sum3A_784 = arith.constant true
      %reduce_sum3A_785 = vector.broadcast %reduce_sum3A_784 : i1 to vector<16xi1>
      %reduce_sum3A_786 = tpu.scan <sum>, %add3A_780 masked %reduce_sum3A_785 : vector<16xf32>, vector<16xi1> -> vector<16xf32>
      %reduce_sum3A_787 = vector.extract %reduce_sum3A_786[15] : f32 from vector<16xf32>
      %broadcast_in_dim3A_788 = vector.broadcast %reduce_sum3A_787 : f32 to vector<16xf32>
      %select_n3A_789 = arith.select %eq3A_783, %broadcast_in_dim3A_788, %select_n3A_737 : vector<16xi1>, vector<16xf32>
      %mul3A_790 = arith.constant 16 : i32
      %mul3A_791 = arith.muli %scan3A_62, %mul3A_790 : i32
      %add3A_792 = arith.constant 14 : i32
      %add3A_793 = arith.addi %mul3A_791, %add3A_792 : i32
      %get3A_794 = arith.index_cast %add3A_793 : i32 to index
      %get3A_795 = arith.constant 0 : index
      %get3A_796 = tpu.vector_load %arg7[%get3A_794, %get3A_795] {strides = array<i32>} : memref<320x32xf32, #tpu.memory_space<vmem>>, vector<16xf32>,
      %bitcast_convert_type3A_797 = tpu.bitcast %get3A_796 : vector<16xf32> -> vector<16xi32>
      %shift_right_logical3A_798 = arith.constant 16 : i32
      %shift_right_logical3A_799 = vector.broadcast %shift_right_logical3A_798 : i32 to vector<16xi32>
      %shift_right_logical3A_800 = arith.shrui %bitcast_convert_type3A_797, %shift_right_logical3A_799 : vector<16xi32>
      %and3A_801 = arith.constant 1 : i32
      %and3A_802 = vector.broadcast %and3A_801 : i32 to vector<16xi32>
      %and3A_803 = arith.andi %shift_right_logical3A_800, %and3A_802 : vector<16xi32>
      %add3A_804 = arith.constant 32767 : i32
      %add3A_805 = vector.broadcast %add3A_804 : i32 to vector<16xi32>
      %add3A_806 = arith.addi %add3A_805, %and3A_803 : vector<16xi32>
      %add3A_807 = arith.addi %bitcast_convert_type3A_797, %add3A_806 : vector<16xi32>
      %and3A_808 = arith.constant -65536 : i32
      %and3A_809 = vector.broadcast %and3A_808 : i32 to vector<16xi32>
      %and3A_810 = arith.andi %add3A_807, %and3A_809 : vector<16xi32>
      %bitcast_convert_type3A_811 = tpu.bitcast %and3A_810 : vector<16xi32> -> vector<16xf32>
      %mul3A_812 = arith.mulf %bitcast_convert_type3A_811, %bitcast_convert_type3A_36 : vector<16xf32>
      %get3A_813 = arith.index_cast %add3A_793 : i32 to index
      %get3A_814 = arith.constant 16 : index
      %get3A_815 = tpu.vector_load %arg7[%get3A_813, %get3A_814] {strides = array<i32>} : memref<320x32xf32, #tpu.memory_space<vmem>>, vector<16xf32>,
      %bitcast_convert_type3A_816 = tpu.bitcast %get3A_815 : vector<16xf32> -> vector<16xi32>
      %shift_right_logical3A_817 = arith.constant 16 : i32
      %shift_right_logical3A_818 = vector.broadcast %shift_right_logical3A_817 : i32 to vector<16xi32>
      %shift_right_logical3A_819 = arith.shrui %bitcast_convert_type3A_816, %shift_right_logical3A_818 : vector<16xi32>
      %and3A_820 = arith.constant 1 : i32
      %and3A_821 = vector.broadcast %and3A_820 : i32 to vector<16xi32>
      %and3A_822 = arith.andi %shift_right_logical3A_819, %and3A_821 : vector<16xi32>
      %add3A_823 = arith.constant 32767 : i32
      %add3A_824 = vector.broadcast %add3A_823 : i32 to vector<16xi32>
      %add3A_825 = arith.addi %add3A_824, %and3A_822 : vector<16xi32>
      %add3A_826 = arith.addi %bitcast_convert_type3A_816, %add3A_825 : vector<16xi32>
      %and3A_827 = arith.constant -65536 : i32
      %and3A_828 = vector.broadcast %and3A_827 : i32 to vector<16xi32>
      %and3A_829 = arith.andi %add3A_826, %and3A_828 : vector<16xi32>
      %bitcast_convert_type3A_830 = tpu.bitcast %and3A_829 : vector<16xi32> -> vector<16xf32>
      %mul3A_831 = arith.mulf %bitcast_convert_type3A_830, %bitcast_convert_type3A_54 : vector<16xf32>
      %add3A_832 = arith.addf %mul3A_812, %mul3A_831 : vector<16xf32>
      %eq3A_833 = arith.constant 14 : i32
      %eq3A_834 = vector.broadcast %eq3A_833 : i32 to vector<16xi32>
      %eq3A_835 = arith.cmpi eq, %iota3A, %eq3A_834 : vector<16xi32>
      %reduce_sum3A_836 = arith.constant true
      %reduce_sum3A_837 = vector.broadcast %reduce_sum3A_836 : i1 to vector<16xi1>
      %reduce_sum3A_838 = tpu.scan <sum>, %add3A_832 masked %reduce_sum3A_837 : vector<16xf32>, vector<16xi1> -> vector<16xf32>
      %reduce_sum3A_839 = vector.extract %reduce_sum3A_838[15] : f32 from vector<16xf32>
      %broadcast_in_dim3A_840 = vector.broadcast %reduce_sum3A_839 : f32 to vector<16xf32>
      %select_n3A_841 = arith.select %eq3A_835, %broadcast_in_dim3A_840, %select_n3A_789 : vector<16xi1>, vector<16xf32>
      %mul3A_842 = arith.constant 16 : i32
      %mul3A_843 = arith.muli %scan3A_62, %mul3A_842 : i32
      %add3A_844 = arith.constant 15 : i32
      %add3A_845 = arith.addi %mul3A_843, %add3A_844 : i32
      %get3A_846 = arith.index_cast %add3A_845 : i32 to index
      %get3A_847 = arith.constant 0 : index
      %get3A_848 = tpu.vector_load %arg7[%get3A_846, %get3A_847] {strides = array<i32>} : memref<320x32xf32, #tpu.memory_space<vmem>>, vector<16xf32>,
      %bitcast_convert_type3A_849 = tpu.bitcast %get3A_848 : vector<16xf32> -> vector<16xi32>
      %shift_right_logical3A_850 = arith.constant 16 : i32
      %shift_right_logical3A_851 = vector.broadcast %shift_right_logical3A_850 : i32 to vector<16xi32>
      %shift_right_logical3A_852 = arith.shrui %bitcast_convert_type3A_849, %shift_right_logical3A_851 : vector<16xi32>
      %and3A_853 = arith.constant 1 : i32
      %and3A_854 = vector.broadcast %and3A_853 : i32 to vector<16xi32>
      %and3A_855 = arith.andi %shift_right_logical3A_852, %and3A_854 : vector<16xi32>
      %add3A_856 = arith.constant 32767 : i32
      %add3A_857 = vector.broadcast %add3A_856 : i32 to vector<16xi32>
      %add3A_858 = arith.addi %add3A_857, %and3A_855 : vector<16xi32>
      %add3A_859 = arith.addi %bitcast_convert_type3A_849, %add3A_858 : vector<16xi32>
      %and3A_860 = arith.constant -65536 : i32
      %and3A_861 = vector.broadcast %and3A_860 : i32 to vector<16xi32>
      %and3A_862 = arith.andi %add3A_859, %and3A_861 : vector<16xi32>
      %bitcast_convert_type3A_863 = tpu.bitcast %and3A_862 : vector<16xi32> -> vector<16xf32>
      %mul3A_864 = arith.mulf %bitcast_convert_type3A_863, %bitcast_convert_type3A_36 : vector<16xf32>
      %get3A_865 = arith.index_cast %add3A_845 : i32 to index
      %get3A_866 = arith.constant 16 : index
      %get3A_867 = tpu.vector_load %arg7[%get3A_865, %get3A_866] {strides = array<i32>} : memref<320x32xf32, #tpu.memory_space<vmem>>, vector<16xf32>,
      %bitcast_convert_type3A_868 = tpu.bitcast %get3A_867 : vector<16xf32> -> vector<16xi32>
      %shift_right_logical3A_869 = arith.constant 16 : i32
      %shift_right_logical3A_870 = vector.broadcast %shift_right_logical3A_869 : i32 to vector<16xi32>
      %shift_right_logical3A_871 = arith.shrui %bitcast_convert_type3A_868, %shift_right_logical3A_870 : vector<16xi32>
      %and3A_872 = arith.constant 1 : i32
      %and3A_873 = vector.broadcast %and3A_872 : i32 to vector<16xi32>
      %and3A_874 = arith.andi %shift_right_logical3A_871, %and3A_873 : vector<16xi32>
      %add3A_875 = arith.constant 32767 : i32
      %add3A_876 = vector.broadcast %add3A_875 : i32 to vector<16xi32>
      %add3A_877 = arith.addi %add3A_876, %and3A_874 : vector<16xi32>
      %add3A_878 = arith.addi %bitcast_convert_type3A_868, %add3A_877 : vector<16xi32>
      %and3A_879 = arith.constant -65536 : i32
      %and3A_880 = vector.broadcast %and3A_879 : i32 to vector<16xi32>
      %and3A_881 = arith.andi %add3A_878, %and3A_880 : vector<16xi32>
      %bitcast_convert_type3A_882 = tpu.bitcast %and3A_881 : vector<16xi32> -> vector<16xf32>
      %mul3A_883 = arith.mulf %bitcast_convert_type3A_882, %bitcast_convert_type3A_54 : vector<16xf32>
      %add3A_884 = arith.addf %mul3A_864, %mul3A_883 : vector<16xf32>
      %eq3A_885 = arith.constant 15 : i32
      %eq3A_886 = vector.broadcast %eq3A_885 : i32 to vector<16xi32>
      %eq3A_887 = arith.cmpi eq, %iota3A, %eq3A_886 : vector<16xi32>
      %reduce_sum3A_888 = arith.constant true
      %reduce_sum3A_889 = vector.broadcast %reduce_sum3A_888 : i1 to vector<16xi1>
      %reduce_sum3A_890 = tpu.scan <sum>, %add3A_884 masked %reduce_sum3A_889 : vector<16xf32>, vector<16xi1> -> vector<16xf32>
      %reduce_sum3A_891 = vector.extract %reduce_sum3A_890[15] : f32 from vector<16xf32>
      %broadcast_in_dim3A_892 = vector.broadcast %reduce_sum3A_891 : f32 to vector<16xf32>
      %select_n3A_893 = arith.select %eq3A_887, %broadcast_in_dim3A_892, %select_n3A_841 : vector<16xi1>, vector<16xf32>
      %mul3A_894 = arith.constant 16 : i32
      %mul3A_895 = arith.muli %scan3A_62, %mul3A_894 : i32
      %swap3A = arith.index_cast %mul3A_895 : i32 to index
      %swap3A_896 = tpu.vector_load %arg8[%swap3A] {strides = array<i32>} : memref<320xf32, #tpu.memory_space<vmem>>, vector<16xf32>,
      tpu.vector_store %arg8[%swap3A], %select_n3A_893 {strides = array<i32>} : memref<320xf32, #tpu.memory_space<vmem>>, vector<16xf32>,
      %scan3A_897 = arith.constant 0 : i32
      scf.yield %scan3A_897 : i32
    }
    %scan3A_61 = arith.constant 20 : i32
    "tpu.region"() ({
      %run_scoped3A = tpu.sem_alloc : memref<!tpu.dma_semaphore, #tpu.memory_space<semaphore_mem>>
      %dma_start3A_62 = tpu.memref_slice %arg4[%min3A_3] : memref<10240xf32, #tpu.memory_space<hbm>> -> memref<320xf32, #tpu.memory_space<hbm>>
      %dma_start3A_63 = tpu.memref_slice %arg4[%min3A_3] : memref<10240xf32, #tpu.memory_space<hbm>> -> memref<320xf32, #tpu.memory_space<hbm>>
      tpu.enqueue_dma source(%arg8 : memref<320xf32, #tpu.memory_space<vmem>>) target(%dma_start3A_63 : memref<320xf32, #tpu.memory_space<hbm>>) target_semaphore(%run_scoped3A : memref<!tpu.dma_semaphore, #tpu.memory_space<semaphore_mem>>)
      %dma_wait3A_64 = tpu.memref_slice %arg4[%min3A_3] : memref<10240xf32, #tpu.memory_space<hbm>> -> memref<320xf32, #tpu.memory_space<hbm>>
      %dma_wait3A_65 = tpu.memref_slice %arg4[%min3A_3] : memref<10240xf32, #tpu.memory_space<hbm>> -> memref<320xf32, #tpu.memory_space<hbm>>
      tpu.wait_dma2 semaphore(%run_scoped3A : memref<!tpu.dma_semaphore, #tpu.memory_space<semaphore_mem>>) src(%arg8 : memref<320xf32, #tpu.memory_space<vmem>>) dst(%dma_wait3A_65 : memref<320xf32, #tpu.memory_space<hbm>>)
      tpu.yield
    }) : () -> ()
    return
  }
}

module attributes {stable_mosaic.version = 14 : i64} {
  func.func @_tc_topk_body(%arg0: memref<10240xf32, #tpu.memory_space<vmem>>, %arg1: memref<8x128xi32, #tpu.memory_space<vmem>>) attributes {dimension_semantics = [], scalar_prefetch = 0 : i64, scratch_operands = 0 : i64, tpu.core_type = #tpu.core_type<tc>} {
    %get3A = arith.constant 0 : index
    %get3A_0 = vector.load %arg0[%get3A] : memref<10240xf32, #tpu.memory_space<vmem>>, vector<10240xf32>
    %reshape3A = vector.shape_cast %get3A_0 : vector<10240xf32> to vector<80x128xf32>
    %iota3A = tpu.iota {dimensions = array<i32: 0>} : vector<80x128xi32>
    %mul3A = arith.constant 128 : i32
    %mul3A_1 = vector.broadcast %mul3A : i32 to vector<80x128xi32>
    %mul3A_2 = arith.muli %iota3A, %mul3A_1 : vector<80x128xi32>
    %iota3A_3 = tpu.iota {dimensions = array<i32: 1>} : vector<80x128xi32>
    %add3A = arith.addi %mul3A_2, %iota3A_3 : vector<80x128xi32>
    %lt3A = arith.constant 10000 : i32
    %lt3A_4 = vector.broadcast %lt3A : i32 to vector<80x128xi32>
    %lt3A_5 = arith.cmpi slt, %add3A, %lt3A_4 : vector<80x128xi32>
    %jit3A = arith.constant 0xFF800000 : f32
    %broadcast_in_dim3A = vector.broadcast %jit3A : f32 to vector<80x128xf32>
    %select_n3A = arith.select %lt3A_5, %reshape3A, %broadcast_in_dim3A : vector<80x128xi1>, vector<80x128xf32>
    %iota3A_6 = tpu.iota {dimensions = array<i32: 0>} : vector<8x128xi32>
    %mul3A_7 = arith.constant 128 : i32
    %mul3A_8 = vector.broadcast %mul3A_7 : i32 to vector<8x128xi32>
    %mul3A_9 = arith.muli %iota3A_6, %mul3A_8 : vector<8x128xi32>
    %iota3A_10 = tpu.iota {dimensions = array<i32: 1>} : vector<8x128xi32>
    %add3A_11 = arith.addi %mul3A_9, %iota3A_10 : vector<8x128xi32>
    %slice3A = vector.extract_strided_slice %select_n3A {offsets = [0, 0], sizes = [8, 128], strides = [1, 1]} : vector<80x128xf32> to vector<8x128xf32>
    %slice3A_12 = vector.extract_strided_slice %select_n3A {offsets = [8, 0], sizes = [8, 128], strides = [1, 1]} : vector<80x128xf32> to vector<8x128xf32>
    %slice3A_13 = vector.extract_strided_slice %select_n3A {offsets = [16, 0], sizes = [8, 128], strides = [1, 1]} : vector<80x128xf32> to vector<8x128xf32>
    %slice3A_14 = vector.extract_strided_slice %select_n3A {offsets = [24, 0], sizes = [8, 128], strides = [1, 1]} : vector<80x128xf32> to vector<8x128xf32>
    %slice3A_15 = vector.extract_strided_slice %select_n3A {offsets = [32, 0], sizes = [8, 128], strides = [1, 1]} : vector<80x128xf32> to vector<8x128xf32>
    %slice3A_16 = vector.extract_strided_slice %select_n3A {offsets = [40, 0], sizes = [8, 128], strides = [1, 1]} : vector<80x128xf32> to vector<8x128xf32>
    %slice3A_17 = vector.extract_strided_slice %select_n3A {offsets = [48, 0], sizes = [8, 128], strides = [1, 1]} : vector<80x128xf32> to vector<8x128xf32>
    %slice3A_18 = vector.extract_strided_slice %select_n3A {offsets = [56, 0], sizes = [8, 128], strides = [1, 1]} : vector<80x128xf32> to vector<8x128xf32>
    %slice3A_19 = vector.extract_strided_slice %select_n3A {offsets = [64, 0], sizes = [8, 128], strides = [1, 1]} : vector<80x128xf32> to vector<8x128xf32>
    %slice3A_20 = vector.extract_strided_slice %select_n3A {offsets = [72, 0], sizes = [8, 128], strides = [1, 1]} : vector<80x128xf32> to vector<8x128xf32>
    %broadcast_in_dim3A_21 = arith.constant 0 : i32
    %broadcast_in_dim3A_22 = vector.broadcast %broadcast_in_dim3A_21 : i32 to vector<8x128xi32>
    %broadcast_in_dim3A_23 = arith.constant 1 : i32
    %broadcast_in_dim3A_24 = vector.broadcast %broadcast_in_dim3A_23 : i32 to vector<8x128xi32>
    %broadcast_in_dim3A_25 = arith.constant 2 : i32
    %broadcast_in_dim3A_26 = vector.broadcast %broadcast_in_dim3A_25 : i32 to vector<8x128xi32>
    %broadcast_in_dim3A_27 = arith.constant 3 : i32
    %broadcast_in_dim3A_28 = vector.broadcast %broadcast_in_dim3A_27 : i32 to vector<8x128xi32>
    %broadcast_in_dim3A_29 = arith.constant 4 : i32
    %broadcast_in_dim3A_30 = vector.broadcast %broadcast_in_dim3A_29 : i32 to vector<8x128xi32>
    %broadcast_in_dim3A_31 = arith.constant 5 : i32
    %broadcast_in_dim3A_32 = vector.broadcast %broadcast_in_dim3A_31 : i32 to vector<8x128xi32>
    %broadcast_in_dim3A_33 = arith.constant 6 : i32
    %broadcast_in_dim3A_34 = vector.broadcast %broadcast_in_dim3A_33 : i32 to vector<8x128xi32>
    %broadcast_in_dim3A_35 = arith.constant 7 : i32
    %broadcast_in_dim3A_36 = vector.broadcast %broadcast_in_dim3A_35 : i32 to vector<8x128xi32>
    %broadcast_in_dim3A_37 = arith.constant 8 : i32
    %broadcast_in_dim3A_38 = vector.broadcast %broadcast_in_dim3A_37 : i32 to vector<8x128xi32>
    %broadcast_in_dim3A_39 = arith.constant 9 : i32
    %broadcast_in_dim3A_40 = vector.broadcast %broadcast_in_dim3A_39 : i32 to vector<8x128xi32>
    %gt3A = arith.cmpf ogt, %slice3A_12, %slice3A : vector<8x128xf32>
    %select_n3A_41 = arith.select %gt3A, %slice3A_12, %slice3A : vector<8x128xi1>, vector<8x128xf32>
    %select_n3A_42 = arith.select %gt3A, %broadcast_in_dim3A_24, %broadcast_in_dim3A_22 : vector<8x128xi1>, vector<8x128xi32>
    %gt3A_43 = arith.cmpf ogt, %slice3A_14, %slice3A_13 : vector<8x128xf32>
    %select_n3A_44 = arith.select %gt3A_43, %slice3A_14, %slice3A_13 : vector<8x128xi1>, vector<8x128xf32>
    %select_n3A_45 = arith.select %gt3A_43, %broadcast_in_dim3A_28, %broadcast_in_dim3A_26 : vector<8x128xi1>, vector<8x128xi32>
    %gt3A_46 = arith.cmpf ogt, %slice3A_16, %slice3A_15 : vector<8x128xf32>
    %select_n3A_47 = arith.select %gt3A_46, %slice3A_16, %slice3A_15 : vector<8x128xi1>, vector<8x128xf32>
    %select_n3A_48 = arith.select %gt3A_46, %broadcast_in_dim3A_32, %broadcast_in_dim3A_30 : vector<8x128xi1>, vector<8x128xi32>
    %gt3A_49 = arith.cmpf ogt, %slice3A_18, %slice3A_17 : vector<8x128xf32>
    %select_n3A_50 = arith.select %gt3A_49, %slice3A_18, %slice3A_17 : vector<8x128xi1>, vector<8x128xf32>
    %select_n3A_51 = arith.select %gt3A_49, %broadcast_in_dim3A_36, %broadcast_in_dim3A_34 : vector<8x128xi1>, vector<8x128xi32>
    %gt3A_52 = arith.cmpf ogt, %slice3A_20, %slice3A_19 : vector<8x128xf32>
    %select_n3A_53 = arith.select %gt3A_52, %slice3A_20, %slice3A_19 : vector<8x128xi1>, vector<8x128xf32>
    %select_n3A_54 = arith.select %gt3A_52, %broadcast_in_dim3A_40, %broadcast_in_dim3A_38 : vector<8x128xi1>, vector<8x128xi32>
    %gt3A_55 = arith.cmpf ogt, %select_n3A_44, %select_n3A_41 : vector<8x128xf32>
    %select_n3A_56 = arith.select %gt3A_55, %select_n3A_44, %select_n3A_41 : vector<8x128xi1>, vector<8x128xf32>
    %select_n3A_57 = arith.select %gt3A_55, %select_n3A_45, %select_n3A_42 : vector<8x128xi1>, vector<8x128xi32>
    %gt3A_58 = arith.cmpf ogt, %select_n3A_50, %select_n3A_47 : vector<8x128xf32>
    %select_n3A_59 = arith.select %gt3A_58, %select_n3A_50, %select_n3A_47 : vector<8x128xi1>, vector<8x128xf32>
    %select_n3A_60 = arith.select %gt3A_58, %select_n3A_51, %select_n3A_48 : vector<8x128xi1>, vector<8x128xi32>
    %gt3A_61 = arith.cmpf ogt, %select_n3A_59, %select_n3A_56 : vector<8x128xf32>
    %select_n3A_62 = arith.select %gt3A_61, %select_n3A_59, %select_n3A_56 : vector<8x128xi1>, vector<8x128xf32>
    %select_n3A_63 = arith.select %gt3A_61, %select_n3A_60, %select_n3A_57 : vector<8x128xi1>, vector<8x128xi32>
    %gt3A_64 = arith.cmpf ogt, %select_n3A_53, %select_n3A_62 : vector<8x128xf32>
    %select_n3A_65 = arith.select %gt3A_64, %select_n3A_53, %select_n3A_62 : vector<8x128xi1>, vector<8x128xf32>
    %select_n3A_66 = arith.select %gt3A_64, %select_n3A_54, %select_n3A_63 : vector<8x128xi1>, vector<8x128xi32>
    %broadcast_in_dim3A_67 = arith.constant 0 : i32
    %broadcast_in_dim3A_68 = vector.broadcast %broadcast_in_dim3A_67 : i32 to vector<8x128xi32>
    %scan3A = arith.constant 0 : i32
    %scan3A_69 = arith.constant 100 : i32
    %scan3A_70 = arith.addi %scan3A, %scan3A_69 : i32
    %scan3A_71 = arith.constant 1 : i32
    %scan3A_72:4 = scf.for %scan3A_76 = %scan3A to %scan3A_70 step %scan3A_71 iter_args(%scan3A_77 = %select_n3A, %scan3A_78 = %select_n3A_65, %scan3A_79 = %select_n3A_66, %scan3A_80 = %broadcast_in_dim3A_68) -> (vector<80x128xf32>, vector<8x128xf32>, vector<8x128xi32>, vector<8x128xi32>)  : i32 {
      %reduce_max3A = vector.shape_cast %scan3A_78 : vector<8x128xf32> to vector<1x8x128xf32>
      %reduce_max3A_81 = arith.constant dense<0xFF800000> : vector<1xf32>
      %reduce_max3A_82 = vector.multi_reduction <maximumf>, %reduce_max3A, %reduce_max3A_81 [1, 2] : vector<1x8x128xf32> to vector<1xf32>
      %reduce_max3A_83 = vector.shape_cast %reduce_max3A_82 : vector<1xf32> to vector<1x1x1xf32>
      %reduce_max3A_84 = vector.extract %reduce_max3A_83[0, 0, 0] : f32 from vector<1x1x1xf32>
      %broadcast_in_dim3A_85 = vector.broadcast %reduce_max3A_84 : f32 to vector<1x1xf32>
      %eq3A = vector.broadcast %broadcast_in_dim3A_85 : vector<1x1xf32> to vector<8x128xf32>
      %eq3A_86 = arith.cmpf oeq, %scan3A_78, %eq3A : vector<8x128xf32>
      %mul3A_87 = arith.constant 1024 : i32
      %mul3A_88 = vector.broadcast %mul3A_87 : i32 to vector<8x128xi32>
      %mul3A_89 = arith.muli %scan3A_79, %mul3A_88 : vector<8x128xi32>
      %add3A_90 = arith.addi %mul3A_89, %add3A_11 : vector<8x128xi32>
      %jit3A_91 = arith.constant 1073741824 : i32
      %broadcast_in_dim3A_92 = vector.broadcast %jit3A_91 : i32 to vector<8x128xi32>
      %select_n3A_93 = arith.select %eq3A_86, %add3A_90, %broadcast_in_dim3A_92 : vector<8x128xi1>, vector<8x128xi32>
      %reduce_min3A = vector.shape_cast %select_n3A_93 : vector<8x128xi32> to vector<1x8x128xi32>
      %reduce_min3A_94 = arith.constant dense<2147483647> : vector<1xi32>
      %reduce_min3A_95 = vector.multi_reduction <minsi>, %reduce_min3A, %reduce_min3A_94 [1, 2] : vector<1x8x128xi32> to vector<1xi32>
      %reduce_min3A_96 = vector.shape_cast %reduce_min3A_95 : vector<1xi32> to vector<1x1x1xi32>
      %reduce_min3A_97 = vector.extract %reduce_min3A_96[0, 0, 0] : i32 from vector<1x1x1xi32>
      %broadcast_in_dim3A_98 = vector.broadcast %reduce_min3A_97 : i32 to vector<1x1xi32>
      %eq3A_99 = vector.broadcast %scan3A_76 : i32 to vector<8x128xi32>
      %eq3A_100 = arith.cmpi eq, %add3A_11, %eq3A_99 : vector<8x128xi32>
      %broadcast_in_dim3A_101 = vector.shape_cast %broadcast_in_dim3A_98 : vector<1x1xi32> to vector<1x1xi32>
      %broadcast_in_dim3A_102 = vector.broadcast %broadcast_in_dim3A_101 : vector<1x1xi32> to vector<8x128xi32>
      %select_n3A_103 = arith.select %eq3A_100, %broadcast_in_dim3A_102, %scan3A_80 : vector<8x128xi1>, vector<8x128xi32>
      %eq3A_104 = vector.broadcast %broadcast_in_dim3A_98 : vector<1x1xi32> to vector<80x128xi32>
      %eq3A_105 = arith.cmpi eq, %add3A, %eq3A_104 : vector<80x128xi32>
      %jit3A_106 = arith.constant 0xFF800000 : f32
      %broadcast_in_dim3A_107 = vector.broadcast %jit3A_106 : f32 to vector<80x128xf32>
      %select_n3A_108 = arith.select %eq3A_105, %broadcast_in_dim3A_107, %scan3A_77 : vector<80x128xi1>, vector<80x128xf32>
      %slice3A_109 = vector.extract_strided_slice %select_n3A_108 {offsets = [0, 0], sizes = [8, 128], strides = [1, 1]} : vector<80x128xf32> to vector<8x128xf32>
      %slice3A_110 = vector.extract_strided_slice %select_n3A_108 {offsets = [8, 0], sizes = [8, 128], strides = [1, 1]} : vector<80x128xf32> to vector<8x128xf32>
      %slice3A_111 = vector.extract_strided_slice %select_n3A_108 {offsets = [16, 0], sizes = [8, 128], strides = [1, 1]} : vector<80x128xf32> to vector<8x128xf32>
      %slice3A_112 = vector.extract_strided_slice %select_n3A_108 {offsets = [24, 0], sizes = [8, 128], strides = [1, 1]} : vector<80x128xf32> to vector<8x128xf32>
      %slice3A_113 = vector.extract_strided_slice %select_n3A_108 {offsets = [32, 0], sizes = [8, 128], strides = [1, 1]} : vector<80x128xf32> to vector<8x128xf32>
      %slice3A_114 = vector.extract_strided_slice %select_n3A_108 {offsets = [40, 0], sizes = [8, 128], strides = [1, 1]} : vector<80x128xf32> to vector<8x128xf32>
      %slice3A_115 = vector.extract_strided_slice %select_n3A_108 {offsets = [48, 0], sizes = [8, 128], strides = [1, 1]} : vector<80x128xf32> to vector<8x128xf32>
      %slice3A_116 = vector.extract_strided_slice %select_n3A_108 {offsets = [56, 0], sizes = [8, 128], strides = [1, 1]} : vector<80x128xf32> to vector<8x128xf32>
      %slice3A_117 = vector.extract_strided_slice %select_n3A_108 {offsets = [64, 0], sizes = [8, 128], strides = [1, 1]} : vector<80x128xf32> to vector<8x128xf32>
      %slice3A_118 = vector.extract_strided_slice %select_n3A_108 {offsets = [72, 0], sizes = [8, 128], strides = [1, 1]} : vector<80x128xf32> to vector<8x128xf32>
      %broadcast_in_dim3A_119 = arith.constant 0 : i32
      %broadcast_in_dim3A_120 = vector.broadcast %broadcast_in_dim3A_119 : i32 to vector<8x128xi32>
      %broadcast_in_dim3A_121 = arith.constant 1 : i32
      %broadcast_in_dim3A_122 = vector.broadcast %broadcast_in_dim3A_121 : i32 to vector<8x128xi32>
      %broadcast_in_dim3A_123 = arith.constant 2 : i32
      %broadcast_in_dim3A_124 = vector.broadcast %broadcast_in_dim3A_123 : i32 to vector<8x128xi32>
      %broadcast_in_dim3A_125 = arith.constant 3 : i32
      %broadcast_in_dim3A_126 = vector.broadcast %broadcast_in_dim3A_125 : i32 to vector<8x128xi32>
      %broadcast_in_dim3A_127 = arith.constant 4 : i32
      %broadcast_in_dim3A_128 = vector.broadcast %broadcast_in_dim3A_127 : i32 to vector<8x128xi32>
      %broadcast_in_dim3A_129 = arith.constant 5 : i32
      %broadcast_in_dim3A_130 = vector.broadcast %broadcast_in_dim3A_129 : i32 to vector<8x128xi32>
      %broadcast_in_dim3A_131 = arith.constant 6 : i32
      %broadcast_in_dim3A_132 = vector.broadcast %broadcast_in_dim3A_131 : i32 to vector<8x128xi32>
      %broadcast_in_dim3A_133 = arith.constant 7 : i32
      %broadcast_in_dim3A_134 = vector.broadcast %broadcast_in_dim3A_133 : i32 to vector<8x128xi32>
      %broadcast_in_dim3A_135 = arith.constant 8 : i32
      %broadcast_in_dim3A_136 = vector.broadcast %broadcast_in_dim3A_135 : i32 to vector<8x128xi32>
      %broadcast_in_dim3A_137 = arith.constant 9 : i32
      %broadcast_in_dim3A_138 = vector.broadcast %broadcast_in_dim3A_137 : i32 to vector<8x128xi32>
      %gt3A_139 = arith.cmpf ogt, %slice3A_110, %slice3A_109 : vector<8x128xf32>
      %select_n3A_140 = arith.select %gt3A_139, %slice3A_110, %slice3A_109 : vector<8x128xi1>, vector<8x128xf32>
      %select_n3A_141 = arith.select %gt3A_139, %broadcast_in_dim3A_122, %broadcast_in_dim3A_120 : vector<8x128xi1>, vector<8x128xi32>
      %gt3A_142 = arith.cmpf ogt, %slice3A_112, %slice3A_111 : vector<8x128xf32>
      %select_n3A_143 = arith.select %gt3A_142, %slice3A_112, %slice3A_111 : vector<8x128xi1>, vector<8x128xf32>
      %select_n3A_144 = arith.select %gt3A_142, %broadcast_in_dim3A_126, %broadcast_in_dim3A_124 : vector<8x128xi1>, vector<8x128xi32>
      %gt3A_145 = arith.cmpf ogt, %slice3A_114, %slice3A_113 : vector<8x128xf32>
      %select_n3A_146 = arith.select %gt3A_145, %slice3A_114, %slice3A_113 : vector<8x128xi1>, vector<8x128xf32>
      %select_n3A_147 = arith.select %gt3A_145, %broadcast_in_dim3A_130, %broadcast_in_dim3A_128 : vector<8x128xi1>, vector<8x128xi32>
      %gt3A_148 = arith.cmpf ogt, %slice3A_116, %slice3A_115 : vector<8x128xf32>
      %select_n3A_149 = arith.select %gt3A_148, %slice3A_116, %slice3A_115 : vector<8x128xi1>, vector<8x128xf32>
      %select_n3A_150 = arith.select %gt3A_148, %broadcast_in_dim3A_134, %broadcast_in_dim3A_132 : vector<8x128xi1>, vector<8x128xi32>
      %gt3A_151 = arith.cmpf ogt, %slice3A_118, %slice3A_117 : vector<8x128xf32>
      %select_n3A_152 = arith.select %gt3A_151, %slice3A_118, %slice3A_117 : vector<8x128xi1>, vector<8x128xf32>
      %select_n3A_153 = arith.select %gt3A_151, %broadcast_in_dim3A_138, %broadcast_in_dim3A_136 : vector<8x128xi1>, vector<8x128xi32>
      %gt3A_154 = arith.cmpf ogt, %select_n3A_143, %select_n3A_140 : vector<8x128xf32>
      %select_n3A_155 = arith.select %gt3A_154, %select_n3A_143, %select_n3A_140 : vector<8x128xi1>, vector<8x128xf32>
      %select_n3A_156 = arith.select %gt3A_154, %select_n3A_144, %select_n3A_141 : vector<8x128xi1>, vector<8x128xi32>
      %gt3A_157 = arith.cmpf ogt, %select_n3A_149, %select_n3A_146 : vector<8x128xf32>
      %select_n3A_158 = arith.select %gt3A_157, %select_n3A_149, %select_n3A_146 : vector<8x128xi1>, vector<8x128xf32>
      %select_n3A_159 = arith.select %gt3A_157, %select_n3A_150, %select_n3A_147 : vector<8x128xi1>, vector<8x128xi32>
      %gt3A_160 = arith.cmpf ogt, %select_n3A_158, %select_n3A_155 : vector<8x128xf32>
      %select_n3A_161 = arith.select %gt3A_160, %select_n3A_158, %select_n3A_155 : vector<8x128xi1>, vector<8x128xf32>
      %select_n3A_162 = arith.select %gt3A_160, %select_n3A_159, %select_n3A_156 : vector<8x128xi1>, vector<8x128xi32>
      %gt3A_163 = arith.cmpf ogt, %select_n3A_152, %select_n3A_161 : vector<8x128xf32>
      %select_n3A_164 = arith.select %gt3A_163, %select_n3A_152, %select_n3A_161 : vector<8x128xi1>, vector<8x128xf32>
      %select_n3A_165 = arith.select %gt3A_163, %select_n3A_153, %select_n3A_162 : vector<8x128xi1>, vector<8x128xi32>
      scf.yield %select_n3A_108, %select_n3A_164, %select_n3A_165, %select_n3A_103 : vector<80x128xf32>, vector<8x128xf32>, vector<8x128xi32>, vector<8x128xi32>
    }
    %scan3A_73 = arith.constant 100 : i32
    %swap3A = arith.constant 0 : index
    %swap3A_74 = arith.constant 0 : index
    %swap3A_75 = vector.load %arg1[%swap3A, %swap3A_74] : memref<8x128xi32, #tpu.memory_space<vmem>>, vector<8x128xi32>
    tpu.vector_store %arg1[%swap3A, %swap3A_74], %scan3A_72#3 {strides = array<i32>} : memref<8x128xi32, #tpu.memory_space<vmem>>, vector<8x128xi32>,
    return
  }
}

</mosaic_0001>

<sc_bundles>
// kernel: kernel.4.cloned.1.call-start
scs
__scs_entry_jumppad:
0x0: {  	(pc) =	sbr.rel $0x88, $3  }
0x1: {  	(tag) =	ssettag $0x0;
	lr =	simm.s32 $0x1  }
0x2: {  	[smem:$0x3F9F] =	sst lr;
	_ =	strace $0xD0000000  }
0x3: {  	_ = 	snop  }
0x4: {  	_ = 	snop  }
0x5: {  	_ = 	snop  }
0x6: {  	_ = 	snop  }
0x7: {  	_ = 	snop  }
__scs_overlays_trampoline_lowered:
0x8: {  	[smem:$0x3FAE] =	sst s0  }
0x9: {  	[smem:$0x3FAF] =	sst s1  }
0xa: {  	[smem:$0x3FB0] =	sst s2  }
0xb: {  	[smem:$0x3FB1] =	sst s3  }
0xc: {  	[smem:$0x3FB2] =	sst s4  }
0xd: {  	[smem:$0x3FB3] =	sst s5  }
0xe: {  	[smem:$0x3FB4] =	sst s6  }
0xf: {  	[smem:$0x3FB5] =	sst s7  }
0x10: {  	[smem:$0x3FB6] =	sst s8  }
0x11: {  	[smem:$0x3FB7] =	sst s9;
	s0 =	simm.s32 @!p0 $0x0  }
0x12: {  	s1 =	sld [smem:$0x3F9D];
	s0 =	simm.s32 @p0 $0x1  }
0x13: {  	[smem:$0x3FB8] =	sst s0;
	s0 =	simm.s32 @!p1 $0x0  }
0x14: {  	s2 =	sld [smem:$0x3F9C];
	s0 =	simm.s32 @p1 $0x1  }
0x15: {  	[smem:$0x3FB9] =	sst s0;
	s0 =	simm.s32 @!p2 $0x0  }
0x16: {  	s3 =	sld [smem:$0x3FDB];
	s0 =	simm.s32 @p2 $0x1  }
0x17: {  	s4 =	simm.s32 $0x1BF5;
	[smem:$0x3FBB] =	sst s0  }
0x18: {  	s0 =	sld [smem:$0x3F9E];
	_ =	swait.ge [sflag:s4], $0x0  }
0x19: {  	s7 =	sld [smem:$0x3F9F]  }
0x1a: {  	s8 =	sadd.s32 $0xFFFFE003, lr  }
0x1b: {  	s9 =	sadd.s32 $0xFFFFFEF7, lr;
	s5 =	simm.s32 $0xFFFFFFFF;
	p2 =	slt.u32 s8, $0xFFFFF086  }
0x1c: {  	p1 =	slt.u32 s9, $0xF7A;
	s5 =	simm.s32 @!p2 $0x0  }
0x1d: {  	s5 =	simm.s32 @p1 $0x1;
	p0 =	seq.s32 s7, s2  }
0x1e: {  	s7 =	smul.u32 @!p0 $0xF7A, s2;
	p2 =	seq.s32 @!p0 s5, $0x0  }
0x1f: {  	s9 =	smul.u32 $0xF7A, s1;
	s8 =	simm.s32 @!p0 $0x1BF5;
	p2 =	por !p2, p0  }
0x20: {  	[sflag:s8] =	ssyncset.s32 @!p0 $0xFFFFF086;
	s6 =	sadd.s32 @!p0 s3, s7;
	s7 =	simm.s32 @!p0 $0x108  }
0x21: {  	s3 =	sadd.s32 s3, s9;
	s6 =	sadd.s32 @!p0 $0x88, s6;
	s7 =	simm.s32 @p2 $0x1082  }
0x22: {  	[simem:s7], [sflag:s8] =	dma.local @!p0 [hbm:s6], $0xF7A  }
0x23: {  	s9 =	sor.u32 $0xD0000000, s2;
	s6 =	simm.s32 $0x108;
	_ =	swait.ge @!p0 [sflag:s8], $0x0  }
0x24: {  	s3 =	sadd.s32 $0x88, s3;
	s6 =	simm.s32 @!p1 $0x1082;
	[sflag:s4] =	ssyncset.s32 $0xFFFFF086  }
0x25: {  	[simem:s6], [sflag:s4] =	dma.local [hbm:s3], $0xF7A  }
0x26: {  	[smem:$0x3F9F] =	sst s1;
	(tag) =	ssettag s2;
	_ =	strace s9  }
0x27: {  	s1 =	sld [smem:$0x3FAF]  }
0x28: {  	s2 =	sld [smem:$0x3FB0]  }
0x29: {  	s4 =	sld [smem:$0x3FB2]  }
0x2a: {  	p0 =	seq.s32 s5, $0x0;
	s5 =	sld [smem:$0x3FB3]  }
0x2b: {  	s6 =	sld [smem:$0x3FB4]  }
0x2c: {  	s7 =	sld [smem:$0x3FB5]  }
0x2d: {  	s3 =	simm.s32 $0x108;
	s8 =	sld [smem:$0x3FB6]  }
0x2e: {  	s3 =	simm.s32 @!p0 $0x1082;
	s9 =	sld [smem:$0x3FB7]  }
0x2f: {  	lr =	sadd.s32 s0, s3;
	s0 =	sld [smem:$0x3FAE]  }
0x30: {  	s3 =	sld [smem:$0x3FB1]  }
0x31: {  	[smem:$0x3FBA] =	sst s10  }
0x32: {  	s10 =	sld [smem:$0x3FB8];
	_ =	sdelay $0x3  }
0x33: {  	p0 =	seq.s32 s10, $0x1;
	s10 =	sld [smem:$0x3FBA];
	_ =	sdelay $0x3  }
0x34: {  	[smem:$0x3FBA] =	sst s10  }
0x35: {  	s10 =	sld [smem:$0x3FB9];
	_ =	sdelay $0x3  }
0x36: {  	p1 =	seq.s32 s10, $0x1;
	s10 =	sld [smem:$0x3FBA];
	_ =	sdelay $0x3  }
0x37: {  	[smem:$0x3FBA] =	sst s10  }
0x38: {  	s10 =	sld [smem:$0x3FBB]  }
0x39: {  	_ = 	snop;
	(pc) =	sbr.ind lr, $3  }
0x3a: {  	_ = 	snop  }
0x3b: {  	_ = 	snop  }
0x3c: {  	p2 =	seq.s32 s10, $0x1;
	s10 =	sld [smem:$0x3FBA]  }
0x3d: {  	_ =	shalt  }
0x3e: {  	_ =	shalt  }
0x3f: {  	_ =	shalt  }
0x40: {  	_ =	shalt  }
0x41: {  	_ =	shalt  }
0x42: {  	_ =	shalt  }
0x43: {  	_ =	shalt  }
0x44: {  	_ =	shalt  }
0x45: {  	_ =	shalt  }
0x46: {  	_ =	shalt  }
0x47: {  	_ =	shalt  }
0x48: {  	_ =	shalt  }
0x49: {  	_ =	shalt  }
0x4a: {  	_ =	shalt  }
0x4b: {  	_ =	shalt  }
0x4c: {  	_ =	shalt  }
0x4d: {  	_ =	shalt  }
0x4e: {  	_ =	shalt  }
0x4f: {  	_ =	shalt  }
0x50: {  	_ =	shalt  }
0x51: {  	_ =	shalt  }
0x52: {  	_ =	shalt  }
0x53: {  	_ =	shalt  }
0x54: {  	_ =	shalt  }
0x55: {  	_ =	shalt  }
0x56: {  	_ =	shalt  }
0x57: {  	_ =	shalt  }
0x58: {  	_ =	shalt  }
0x59: {  	_ =	shalt  }
0x5a: {  	_ =	shalt  }
0x5b: {  	_ =	shalt  }
0x5c: {  	_ =	shalt  }
0x5d: {  	_ =	shalt  }
0x5e: {  	_ =	shalt  }
0x5f: {  	_ =	shalt  }
0x60: {  	_ =	shalt  }
0x61: {  	_ =	shalt  }
0x62: {  	_ =	shalt  }
0x63: {  	_ =	shalt  }
0x64: {  	_ =	shalt  }
0x65: {  	_ =	shalt  }
0x66: {  	_ =	shalt  }
0x67: {  	_ =	shalt  }
0x68: {  	_ =	shalt  }
0x69: {  	_ =	shalt  }
0x6a: {  	_ =	shalt  }
0x6b: {  	_ =	shalt  }
0x6c: {  	_ =	shalt  }
0x6d: {  	_ =	shalt  }
0x6e: {  	_ =	shalt  }
0x6f: {  	_ =	shalt  }
0x70: {  	_ =	shalt  }
0x71: {  	_ =	shalt  }
0x72: {  	_ =	shalt  }
0x73: {  	_ =	shalt  }
0x74: {  	_ =	shalt  }
0x75: {  	_ =	shalt  }
0x76: {  	_ =	shalt  }
0x77: {  	_ =	shalt  }
0x78: {  	_ =	shalt  }
0x79: {  	_ =	shalt  }
0x7a: {  	_ =	shalt  }
0x7b: {  	_ =	shalt  }
0x7c: {  	_ =	shalt  }
0x7d: {  	_ =	shalt  }
0x7e: {  	_ =	shalt  }
0x7f: {  	_ =	shalt  }
0x80: {  	_ =	shalt  }
0x81: {  	_ =	shalt  }
0x82: {  	_ =	shalt  }
0x83: {  	_ =	shalt  }
0x84: {  	_ =	shalt  }
0x85: {  	_ =	shalt  }
0x86: {  	_ =	shalt  }
0x87: {  	_ =	shalt  }
.Lfunc_end0:
.L_simem_size_0:
called_computation_lowered:
.L_overlay_start_0:
0x88: {  	s2 =	sld [smem:$0x3FD9]  }
0x89: {  	s3 =	sld [smem:$0x3FFE];
	_ =	sdelay $0x1  }
0x8a: {  	s1 =	srdreg.scid  }
0x8b: {  	s0 =	sand.u32 $0x1, s1  }
0x8c: {  	s17 =	sshll.u32 s0, $0xA;
	s2 =	sadd.s32 s3, s2  }
0x8d: {  	s2 =	sadd.s32 s2, s17  }
0x8e: {  	[smem:$0x3FC6] =	sst s2  }
0x8f: {  	_ = 	snop  }
0x90: {  	s2 =	sld [smem:$0x3FC9];
	(tm) =	ssettm $0x1  }
0x91: {  	s18 =	sld [smem:$0x3FFB];
	_ =	sdelay $0x3  }
0x92: {  	_ =	strace s18  }
0x93: {  	s3 =	sld [smem:$0x3FFC];
	_ =	sdelay $0x3  }
0x94: {  	_ =	strace s3  }
0x95: {  	s3 =	sld [smem:$0x3FFD];
	_ =	sdelay $0x3  }
0x96: {  	_ =	strace s3  }
0x97: {  	_ =	strace $0x8FFFFFFF  }
0x98: {  	s19 =	sld [smem:$0x3FDB];
	_ =	sdelay $0x1  }
0x99: {  	s4 =	simm.s32 $_scs_section_size  }
0x9a: {  	s5 =	simm.s32 $_size__tile_overlayer_lowered;
	s6 =	simm.s32 $_tile_overlayer_lowered  }
0x9b: {  	s22 =	simm.s32 $0x1BFF;
	s21 =	sshll.u32 s6, $0x1;
	s3 =	sadd.s32 s4, s19  }
0x9c: {  	s7 =	simm.s32 $0x0;
	s20 =	sshll.u32 s5, $0x1;
	s5 =	sadd.s32 s21, s3  }
0x9d: {  	[timem:s7], [sflag:s22] =	dma.local [hbm:s5], s20  }
0x9e: {  	_ =	swait.ge [sflag:s22], s20  }
0x9f: {  	s4 =	ssub.s32 $0x0, s20;
	[sflag:s22] =	ssyncset.done $0x0  }
0xa0: {  	[sflag:s22] =	ssyncadd.s32 s4;
	_ =	sdelay $0x1  }
0xa1: {  	s23 =	simm.s32 $0x1B8B  }
0xa2: {  	_ =	swait.ge [sflag:s23], $0x1  }
0xa3: {  	[sflag:s23] =	ssyncset.done $0x0  }
0xa4: {  	s25 =	simm.s32 $0x1B8E;
	s24 =	sld [smem:$0x3FFE];
	[sflag:s23] =	ssyncadd.s32 $0xFFFFFFFF  }
0xa5: {  	s26 =	simm.s32 $execute0_lowered;
	[smem:$0x3FD2] =	sst s25  }
0xa6: {  	s5 =	sshll.u32 s26, $0x1;
	_ =	strace $0x80000046;
	[dreg:$0x1] =	wrdreg $0xFFFFFFFF  }
0xa7: {  	s28 =	simm.s32 $_size_execute0_lowered;
	s3 =	sadd.s32 s3, s5;
	[dreg:$0x0] =	wrdreg $0x0  }
0xa8: {  	s5 =	sshll.u32 s28, $0x1;
	[dreg:$0x2] =	wrdreg s3  }
0xa9: {  	[dreg:$0x3] =	wrdreg s5  }
0xaa: {  	[dreg:$0x4] =	wrdreg $0xC0  }
0xab: {  	_ =	task [dreg:s7], $0x5FFFF  }
0xac: {  	[dreg:$0x1] =	wrdreg $0xFFFFFFFF  }
0xad: {  	[dreg:$0x0] =	wrdreg $0x60  }
0xae: {  	[dreg:$0x2] =	wrdreg s2  }
0xaf: {  	[dreg:$0x3] =	wrdreg s24  }
0xb0: {  	[dreg:$0x4] =	wrdreg $0x9  }
0xb1: {  	_ =	task.clear_ibuf [dreg:s7], $0x5FFFF;
	_ =	strace $0x90000046  }
0xb2: {  	s29 =	simm.s32 $0x9;
	_ =	strace $0x80000048  }
0xb3: {  	_ =	swait.ge [sflag:s29], $0x1  }
0xb4: {  	[sflag:s29] =	ssyncadd.s32 $0xFFFFFFFF  }
0xb5: {  	_ =	strace $0x90000048  }
0xb6: {  	_ =	sfence  }
0xb7: {  	s30 =	sld [smem:$0x0];
	_ =	sdelay $0x2  }
0xb8: {  	s31 =	sshll.u32 s1, $0xD;
	s1 =	sshrl.u32 s1, $0x2  }
0xb9: {  	s3 =	sand.u32 $0x4000, s31;
	s1 =	sadd.s32 s1, s30  }
0xba: {  	s0 =	sor.u32 s3, s0;
	s1 =	sshll.u32 s1, $0x11  }
0xbb: {  	s0 =	sor.u32 s1, s0  }
0xbc: {  	s0 =	sadd.s32 $0x8F2B, s0  }
0xbd: {  	[sflag:s0] =	ssyncadd.remote.s32 $0x1  }
0xbe: {  	_ =	sfence.sel $0xFFFF  }
0xbf: {  	[dreg:$0x0] =	wrdreg $0xFFFFFFFF;
	(pc) =	sbr.abs _section_cstart, $3  }
0xc0: {  	[dreg:$0x1] =	wrdreg $0xFFFFFFFF  }
0xc1: {  	_ =	task.clear_ibuf [dreg:s7], $0x2FFFF;
	_ =	strace $0x9FFFFFFF  }
0xc2: {  	(tm) =	ssettm $0x7FFFFFFF  }
0xc3: {  	_ =	shalt  }
tec
execute0_lowered:
.L_overlay_start_1:
0x0: {  	(tag) =	ssettag $0x1  }
0x1: {  	s1 =	srdreg.scid;
	s2 =	rddreg [dreg:$0x0]  }
0x2: {  	s0 =	stileid.u32;
	s5 =	rddreg [dreg:$0x1];
	s3 =	simm.s32 $0x0  }
0x3: {  	s10 =	simm.s32 $0xC8;
	s4 =	sand.u32 $0x1, s1;
	s30 =	sshll.u32 s0, $0x1  }
0x4: {  	s11 =	simm.s32 $0x1;
	s12 =	simm.s32 $0x41C8;
	s6 =	sor.u32 s4, s30  }
0x5: {  	s13 =	simm.s32 $0x0;
	[smem:$0x7FF] =	sst s3;
	s6 =	smul.u32 $0x140, s6  }
0x6: {  	vm0 =	vmmov $0x1;
	vm1 =	vmmov $0x3;
	vm2 =	vmmov $0x7;
	s1 =	rddreg [dreg:$0x2];
	_ =	strace $0x80000047;
	s7 =	ssub.s32 $0x2, s4  }
0x7: {  	vm3 =	vmmov $0xf;
	vm4 =	vmmov $0x1f;
	vm5 =	vmmov $0x3f;
	s4 =	sadd.s32 $0x600, s5;
	s9 =	sshrl.u32 s7, $0x1;
	s6 =	smin.u32 s6, $0x25D0  }
0x8: {  	vm6 =	vmmov $0x7f;
	vm7 =	vmmov $0xff;
	vm8 =	vmmov $0x1ff;
	s7 =	ssub.s32 s7, s9;
	s9 =	simm.s32 $0x2;
	s8 =	sshrl.u32 s6, $0x3  }
0x9: {  	vm9 =	vmmov $0x3ff;
	vm10 =	vmmov $0x7ff;
	vm11 =	vmmov $0xfff;
	s7 =	smax.u32 s7, $0x1;
	s31 =	sshll.u32 s6, $0x2;
	s8 =	sadd.s32 s8, s5  }
0xa: {  	vm12 =	vmmov $0x1fff;
	vm13 =	vmmov $0x3fff;
	vm14 =	vmmov $0x7fff;
	s5 =	sadd.s32 s4, s31;
	s6 =	sadd.s32 $0xA400, s8;
	s8 =	simm.s32 $0x19C8  }
.LBB2_1:
0xb: {  	[tilespmem:s8], [sflag:$0x1] =	stream.linear.gather [hbm4b:s5+s3], $0x2800, $0x38;
	[tilespmem:$0x4308] =	vst v63  }
0xc: {  	_ = 	snop  }
0xd: {  	[tilespmem:s3], [sflag:$0x2] =	stream.linear.gather [hbm4b:s2+s3], $0xC8, $0x38;
	[tilespmem:$0x4308] =	vst v63  }
0xe: {  	_ =	swait.ge [sflag:s9], $0xC8  }
0xf: {  	[sflag:s9] =	ssyncset.done $0x0  }
0x10: {  	[sflag:s9] =	ssyncadd.s32 $0xFFFFFF38  }
0x11: {  	[tilespmem:s10], [sflag:$0x1] =	stream.indirect.gather [hbm4b:s4+s10], $0x20, s3, s10, $0xb8;
	[tilespmem:$0x4308] =	vst v63  }
0x12: {  	_ =	swait.ge [sflag:s11], $0x1900  }
0x13: {  	[sflag:s11] =	ssyncset.done $0x0  }
0x14: {  	[sflag:s11] =	ssyncadd.s32 $0xFFFFE700  }
0x15: {  	_ =	swait.ge [sflag:s11], $0x2800  }
0x16: {  	[sflag:s11] =	ssyncset.done $0x0  }
0x17: {  	s15 =	simm.s32 $0x0;
	[sflag:s11] =	ssyncadd.s32 $0xFFFFD800  }
0x18: {  	v1 =	vld [tilespmem:s15+$0xD8]  }
0x19: {  	v0 =	vimm.f32 $0.0e+00;
	s14 =	simm.s32 $0x80;
	v2 =	vimm.f32 $0.0e+00;
	v3 =	vld [tilespmem:s15+$0xC8]  }
.LBB2_2:
0x1a: {  	p0 =	sne.s32 s14, $0x6380  }
.Ltmp0:
0x1b: {  	_ = 	snop;
	(pc) =	sbr.rel @p0 .LBB2_2-.Ltmp0, $4  }
0x1c: {  	_ = 	snop  }
0x1d: {  	s15 =	sshra.s32 s14, $0x2;
	s14 =	sadd.s32 $0x80, s14;
	v0 =	vadd.f32 v1, v0  }
0x1e: {  	v1 =	vld [tilespmem:s15+$0xD8];
	v2 =	vadd.f32 v3, v2  }
0x1f: {  	v3 =	vld [tilespmem:s15+$0xC8]  }
0x20: {  	_ =	sdelay $0x1  }
0x21: {  	s14 =	simm.s32 $0x1AC8  }
0x22: {  	v6 =	vld [tilespmem:s14+$0xD0]  }
0x23: {  	v0 =	vadd.f32 v1, v0;
	v1 =	vadd.f32 v3, v2  }
0x24: {  	v3 =	vld [tilespmem:s14+$0xC0]  }
0x25: {  	v2 =	vld [tilespmem:s14+$0xE0];
	v0 =	vmul.f32 $4.999999890e-03, v0;
	v1 =	vmul.f32 $4.999999890e-03, v1;
	_ =	sdelay $0x1  }
0x26: {  	v7 =	vshrl.u32 v6, $0x10;
	v5 =	vshrl.u32 v0, $0x10;
	v4 =	vshrl.u32 v1, $0x10  }
0x27: {  	v7 =	vand.u32 $0x1, v7;
	v5 =	vand.u32 $0x1, v5;
	v4 =	vand.u32 $0x1, v4  }
0x28: {  	v0 =	vadd.s32 v5, v0;
	v5 =	vshrl.u32 v3, $0x10;
	v1 =	vadd.s32 v4, v1;
	v4 =	vld [tilespmem:s14+$0x80]  }
0x29: {  	v8 =	vshrl.u32 v2, $0x10;
	v0 =	vadd.s32 $0x7FFF, v0;
	v5 =	vand.u32 $0x1, v5  }
0x2a: {  	v8 =	vand.u32 $0x1, v8;
	v1 =	vadd.s32 $0x7FFF, v1;
	v0 =	vand.u32 $0xFFFF0000, v0  }
0x2b: {  	v9 =	vld [tilespmem:s14+$0xA0];
	v3 =	vadd.s32 v5, v3;
	v5 =	vadd.s32 v7, v6;
	v2 =	vadd.s32 v8, v2  }
0x2c: {  	v10 =	vld [tilespmem:s14+$0x90];
	v1 =	vand.u32 $0xFFFF0000, v1;
	v3 =	vadd.s32 $0x7FFF, v3;
	v5 =	vadd.s32 $0x7FFF, v5  }
0x2d: {  	v6 =	vld [tilespmem:s14+$0x60];
	v3 =	vand.u32 $0xFFFF0000, v3;
	v5 =	vand.u32 $0xFFFF0000, v5;
	v7 =	vshrl.u32 v4, $0x10  }
0x2e: {  	v8 =	vld [tilespmem:s14+$0x70];
	v3 =	vmul.f32 v3, v1;
	v5 =	vmul.f32 v5, v0;
	v7 =	vand.u32 $0x1, v7  }
0x2f: {  	v4 =	vadd.s32 v7, v4  }
0x30: {  	v11 =	vadd.f32 v5, v3;
	v4 =	vadd.s32 $0x7FFF, v4  }
0x31: {  	v3 =	vshrl.u32 v10, $0x10;
	v7 =	vshrl.u32 v9, $0x10;
	v4 =	vand.u32 $0xFFFF0000, v4  }
0x32: {  	v5 =	vshrl.u32 v6, $0x10;
	v12 =	vmul.f32 v4, v1;
	v4 =	vand.u32 $0x1, v7;
	v7 =	vld [tilespmem:s14+$0x20]  }
0x33: {  	v13 =	vshrl.u32 v8, $0x10;
	v3 =	vand.u32 $0x1, v3;
	v5 =	vand.u32 $0x1, v5  }
0x34: {  	v13 =	vand.u32 $0x1, v13;
	v10 =	vadd.s32 v3, v10;
	v5 =	vadd.s32 v5, v6  }
0x35: {  	v14 =	vld [tilespmem:s14+$0x40];
	v6 =	vadd.s32 v13, v8;
	v8 =	vadd.s32 $0x7FFF, v10;
	v5 =	vadd.s32 $0x7FFF, v5  }
0x36: {  	v10 =	vld [tilespmem:s14+$0x30];
	v6 =	vadd.s32 $0x7FFF, v6;
	v8 =	vand.u32 $0xFFFF0000, v8;
	v5 =	vand.u32 $0xFFFF0000, v5  }
0x37: {  	v6 =	vand.u32 $0xFFFF0000, v6;
	v8 =	vmul.f32 v8, v0;
	v15 =	vshrl.u32 v7, $0x10  }
0x38: {  	v13 =	vld [tilespmem:s14+$0x0];
	v16 =	vmul.f32 v5, v1;
	v6 =	vmul.f32 v6, v0;
	v15 =	vand.u32 $0x1, v15  }
0x39: {  	v17 =	vld [tilespmem:s14+$0x10];
	v4 =	vadd.s32 v4, v9;
	v7 =	vadd.s32 v15, v7  }
0x3a: {  	v9 =	vadd.f32 v6, v16;
	v8 =	vadd.f32 v8, v12;
	v6 =	vadd.s32 $0x7FFF, v7  }
0x3b: {  	v12 =	vshrl.u32 v14, $0x10;
	v15 =	vld [tilespmem:s14+$0xFFFFFFC0];
	v7 =	vshrl.u32 v10, $0x10;
	v6 =	vand.u32 $0xFFFF0000, v6  }
0x3c: {  	v12 =	vand.u32 $0x1, v12;
	v7 =	vand.u32 $0x1, v7;
	v16 =	vmul.f32 v6, v1  }
0x3d: {  	v7 =	vadd.s32 v7, v10;
	v6 =	vadd.s32 v12, v14;
	v10 =	vshrl.u32 v13, $0x10  }
0x3e: {  	v12 =	vshrl.u32 v17, $0x10;
	v14 =	vadd.s32 $0x7FFF, v7;
	v10 =	vand.u32 $0x1, v10  }
0x3f: {  	v18 =	vld [tilespmem:s14+$0xFFFFFFE0];
	v12 =	vand.u32 $0x1, v12;
	v14 =	vand.u32 $0xFFFF0000, v14;
	v10 =	vadd.s32 v10, v13  }
0x40: {  	v19 =	vld [tilespmem:s14+$0xFFFFFFD0];
	v12 =	vadd.s32 v12, v17;
	v17 =	vshrl.u32 v15, $0x10;
	v13 =	vmul.f32 v14, v0  }
0x41: {  	v20 =	vld [tilespmem:s14+$0xFFFFFFB0];
	v10 =	vadd.s32 $0x7FFF, v10;
	v12 =	vadd.s32 $0x7FFF, v12;
	v17 =	vand.u32 $0x1, v17  }
0x42: {  	v14 =	vld [tilespmem:s14+$0xFFFFFFA0];
	v10 =	vand.u32 $0xFFFF0000, v10;
	v12 =	vand.u32 $0xFFFF0000, v12;
	v15 =	vadd.s32 v17, v15  }
0x43: {  	v17 =	vmul.f32 v10, v1;
	v12 =	vmul.f32 v12, v0;
	v15 =	vadd.s32 $0x7FFF, v15  }
0x44: {  	v21 =	vadd.f32 v13, v16;
	v13 =	vand.u32 $0xFFFF0000, v15  }
0x45: {  	v15 =	vshrl.u32 v18, $0x10;
	v23 =	vadd.f32 v12, v17;
	v16 =	vmul.f32 v13, v1  }
0x46: {  	v12 =	vshrl.u32 v19, $0x10;
	v13 =	vand.u32 $0x1, v15;
	v17 =	vshrl.u32 v20, $0x10  }
0x47: {  	v24 =	vld [tilespmem:s14+$0xFFFFFF60];
	v15 =	vshrl.u32 v14, $0x10;
	v22 =	vand.u32 $0x1, v12;
	v17 =	vand.u32 $0x1, v17  }
0x48: {  	v13 =	vadd.s32 v13, v18;
	v15 =	vand.u32 $0x1, v15;
	v19 =	vadd.s32 v22, v19  }
0x49: {  	(xrf2) =	vadd.scan.msk.f32 $0xffff, v11;
	v11 =	vld [tilespmem:s14+$0xFFFFFF70];
	v14 =	vadd.s32 v15, v14;
	v15 =	vadd.s32 v17, v20;
	v17 =	vadd.s32 $0x7FFF, v19  }
0x4a: {  	v14 =	vadd.s32 $0x7FFF, v14;
	v15 =	vadd.s32 $0x7FFF, v15;
	v17 =	vand.u32 $0xFFFF0000, v17  }
0x4b: {  	(xrf2) =	vadd.scan.msk.f32 $0xffff, v8;
	v22 =	vld [tilespmem:s14+$0xFFFFFF80];
	v8 =	vand.u32 $0xFFFF0000, v14;
	v15 =	vand.u32 $0xFFFF0000, v15;
	v17 =	vmul.f32 v17, v0  }
0x4c: {  	v26 =	vld [tilespmem:s14+$0xFFFFFF50];
	v18 =	vshrl.u32 v24, $0x10;
	v8 =	vmul.f32 v8, v1;
	v19 =	vmul.f32 v15, v0  }
0x4d: {  	(xrf2) =	vadd.scan.msk.f32 $0xffff, v9;
	v9 =	vld [tilespmem:s14+$0xFFFFFF40];
	v25 =	vadd.f32 v17, v16;
	v16 =	vand.u32 $0x1, v18  }
0x4e: {  	v3 =	vld [tilespmem:s14+$0xB0];
	v17 =	vadd.f32 v19, v8;
	v8 =	vadd.s32 v16, v24;
	v16 =	vshrl.u32 v11, $0x10  }
0x4f: {  	v7 =	vld [tilespmem:s14+$0x50];
	v8 =	vadd.s32 $0x7FFF, v8;
	v20 =	vand.u32 $0x1, v16  }
0x50: {  	v12 =	vld [tilespmem:s14+$0xFFFFFFF0];
	v18 =	vshrl.u32 v22, $0x10;
	v8 =	vand.u32 $0xFFFF0000, v8;
	v11 =	vadd.s32 v20, v11  }
0x51: {  	(xrf2) =	vadd.scan.msk.f32 $0xffff, v21;
	v14 =	vld [tilespmem:s14+$0xFFFFFF90];
	v18 =	vand.u32 $0x1, v18;
	v20 =	vmul.f32 v8, v1;
	v8 =	vadd.s32 $0x7FFF, v11  }
0x52: {  	v19 =	vld [tilespmem:s14+$0xFFFFFF00];
	v16 =	vadd.s32 v18, v22;
	v22 =	vshrl.u32 v9, $0x10  }
0x53: {  	v2 =	vadd.s32 $0x7FFF, v2;
	v11 =	vand.u32 $0x1, v22  }
0x54: {  	v5 =	vshrl.u32 v3, $0x10;
	v27 =	vand.u32 $0xFFFF0000, v8;
	v11 =	vadd.s32 v11, v9;
	v8, _, _ =	vpop (xrf2);
	(xrf2) =	vadd.scan.msk.f32 $0xffff, v23  }
0x55: {  	v10 =	vshrl.u32 v7, $0x10;
	v24 =	vshrl.u32 v26, $0x10;
	v22 =	vld [tilespmem:s14+$0xFFFFFF10];
	v11 =	vadd.s32 $0x7FFF, v11  }
0x56: {  	v15 =	vshrl.u32 v12, $0x10;
	v28 =	vand.u32 $0x1, v24;
	v18 =	vshrl.u32 v14, $0x10  }
0x57: {  	v21 =	vld [tilespmem:s14+$0xFFFFFF20];
	v24 =	vmul.f32 v27, v0;
	v27 =	vadd.s32 v28, v26;
	v23 =	vshrl.u32 v19, $0x10;
	v9, _, _ =	vpop (xrf2);
	(xrf2) =	vadd.scan.msk.f32 $0xffff, v25  }
0x58: {  	s15 =	simm.s32 $0x0;
	s16 =	simm.s32 $0x40;
	v26 =	vand.u32 $0xFFFF0000, v11;
	v27 =	vadd.s32 $0x7FFF, v27;
	v25 =	vand.u32 $0x1, v23;
	v23 =	vld [tilespmem:s14+$0xFFFFFF30];
	v11, _, _ =	vpop (xrf2)  }
.LBB2_4:
0x59: {  	p0 =	sne.s32 s16, $0x4C0;
	v19 =	vadd.s32 v25, v19;
	v25 =	vmul.f32 v26, v1;
	v26 =	vand.u32 $0xFFFF0000, v27  }
0x5a: {  	v19 =	vadd.s32 $0x7FFF, v19;
	v27 =	vshrl.u32 v22, $0x10;
	v26 =	vmul.f32 v26, v0;
	(xrf2) =	vadd.scan.msk.f32 $0xffff, v17  }
0x5b: {  	v20 =	vadd.f32 v24, v20;
	v19 =	vand.u32 $0xFFFF0000, v19;
	v27 =	vand.u32 $0x1, v27;
	v17, _, _ =	vpop (xrf2)  }
0x5c: {  	v19 =	vmul.f32 v19, v1;
	v22 =	vadd.s32 v27, v22;
	v24 =	vadd.f32 v26, v25  }
0x5d: {  	v25 =	vshrl.u32 v21, $0x10;
	v22 =	vadd.s32 $0x7FFF, v22;
	v27 =	vshrl.u32 v23, $0x10;
	(xrf2) =	vadd.scan.msk.f32 $0xffff, v20  }
0x5e: {  	v20 =	vand.u32 $0xFFFF0000, v22;
	v22 =	vand.u32 $0x1, v25;
	v25 =	vand.u32 $0x1, v27;
	v26, _, _ =	vpop (xrf2)  }
0x5f: {  	v20 =	vmul.f32 v20, v0;
	v21 =	vadd.s32 v22, v21;
	v25 =	vadd.s32 v25, v23  }
0x60: {  	v18 =	vand.u32 $0x1, v18;
	v21 =	vadd.s32 $0x7FFF, v21;
	v23 =	vadd.s32 $0x7FFF, v25;
	(xrf2) =	vadd.scan.msk.f32 $0xffff, v24  }
0x61: {  	v24 =	vadd.f32 v20, v19;
	v20 =	vand.u32 $0xFFFF0000, v21;
	v21 =	vand.u32 $0xFFFF0000, v23;
	v22, _, _ =	vpop (xrf2)  }
0x62: {  	v14 =	vadd.s32 v18, v14;
	v20 =	vmul.f32 v20, v1;
	v21 =	vmul.f32 v21, v0  }
0x63: {  	v16 =	vadd.s32 $0x7FFF, v16;
	v15 =	vand.u32 $0x1, v15;
	v14 =	vadd.s32 $0x7FFF, v14;
	(xrf2) =	vadd.scan.msk.f32 $0xffff, v24  }
0x64: {  	v16 =	vand.u32 $0xFFFF0000, v16;
	v14 =	vand.u32 $0xFFFF0000, v14;
	v18 =	vadd.f32 v21, v20;
	v19, _, _ =	vpop (xrf2)  }
0x65: {  	v12 =	vadd.s32 v15, v12;
	v14 =	vmul.f32 v14, v0;
	v20 =	vmul.f32 v16, v1  }
0x66: {  	v13 =	vadd.s32 $0x7FFF, v13;
	v10 =	vand.u32 $0x1, v10;
	v12 =	vadd.s32 $0x7FFF, v12;
	(xrf2) =	vadd.scan.msk.f32 $0xffff, v18  }
0x67: {  	v13 =	vand.u32 $0xFFFF0000, v13;
	v12 =	vand.u32 $0xFFFF0000, v12;
	v14 =	vadd.f32 v14, v20;
	v15 =	vld [tilespmem:s14+$0xF0];
	v16, _, _ =	vpop (xrf2)  }
0x68: {  	v7 =	vadd.s32 v10, v7;
	v13 =	vmul.f32 v13, v1;
	v18 =	vmul.f32 v12, v0  }
0x69: {  	v6 =	vadd.s32 $0x7FFF, v6;
	v5 =	vand.u32 $0x1, v5;
	v7 =	vadd.s32 $0x7FFF, v7;
	(xrf2) =	vadd.scan.msk.f32 $0xffff, v14  }
0x6a: {  	v6 =	vand.u32 $0xFFFF0000, v6;
	v7 =	vand.u32 $0xFFFF0000, v7;
	v10 =	vadd.f32 v18, v13;
	v12, _, _ =	vpop (xrf2)  }
0x6b: {  	v3 =	vadd.s32 v5, v3;
	v6 =	vmul.f32 v6, v1;
	v13 =	vmul.f32 v7, v0  }
0x6c: {  	v4 =	vadd.s32 $0x7FFF, v4;
	v3 =	vadd.s32 $0x7FFF, v3;
	v5 =	vshrl.u32 v15, $0x10;
	(xrf2) =	vadd.scan.msk.f32 $0xffff, v10  }
0x6d: {  	v4 =	vand.u32 $0xFFFF0000, v4;
	v3 =	vand.u32 $0xFFFF0000, v3;
	v6 =	vadd.f32 v13, v6;
	v7, _, _ =	vpop (xrf2)  }
0x6e: {  	v4 =	vmul.f32 v4, v1;
	v3 =	vmul.f32 v3, v0;
	v13 =	vand.u32 $0x1, v5  }
0x6f: {  	v2 =	vand.u32 $0xFFFF0000, v2;
	v10 =	vadd.s32 v13, v15;
	(xrf2) =	vadd.scan.msk.f32 $0xffff, v6  }
0x70: {  	v2 =	vmul.f32 v2, v1;
	v3 =	vadd.f32 v3, v4;
	v4 =	vadd.s32 $0x7FFF, v10;
	v5, _, _ =	vpop (xrf2)  }
0x71: {  	v10 =	vbroadcast v7, $0xF;
	v4 =	vand.u32 $0xFFFF0000, v4;
	v5 =	vbroadcast v5, $0xF  }
0x72: {  	v7 =	vbroadcast v12, $0xF;
	v4 =	vmul.f32 v4, v0;
	(xrf2) =	vadd.scan.msk.f32 $0xffff, v3  }
0x73: {  	v3 =	vsel vm0, v10, v5;
	v5 =	vbroadcast v16, $0xF;
	v6, _, _ =	vpop (xrf2)  }
0x74: {  	v2 =	vadd.f32 v4, v2;
	v3 =	vsel vm1, v3, v7;
	v7 =	vbroadcast v6, $0xF  }
0x75: {  	v4 =	vbroadcast v19, $0xF;
	v3 =	vsel vm2, v3, v5  }
0x76: {  	v3 =	vsel vm3, v3, v7;
	v7 =	vbroadcast v22, $0xF;
	v6, _, _ =	vpop (xrf2);
	(xrf2) =	vadd.scan.msk.f32 $0xffff, v2  }
0x77: {  	v2 =	vsel vm4, v3, v4;
	v3 =	vbroadcast v6, $0xF  }
0x78: {  	v4 =	vbroadcast v26, $0xF;
	v2 =	vsel vm5, v2, v7  }
0x79: {  	v2 =	vsel vm6, v2, v3;
	v3 =	vbroadcast v17, $0xF;
	v5, _, _ =	vpop (xrf2)  }
0x7a: {  	v2 =	vsel vm7, v2, v4;
	v4 =	vbroadcast v5, $0xF  }
0x7b: {  	v2 =	vsel vm8, v2, v3;
	v3 =	vbroadcast v11, $0xF  }
0x7c: {  	v2 =	vsel vm9, v2, v4;
	v4 =	vbroadcast v9, $0xF;
	v5, _, _ =	vpop (xrf2)  }
0x7d: {  	v2 =	vsel vm10, v2, v3;
	v5 =	vbroadcast v5, $0xF  }
0x7e: {  	v2 =	vsel vm11, v2, v4;
	v4 =	vbroadcast v8, $0xF  }
0x7f: {  	v2 =	vsel vm12, v2, v5  }
0x80: {  	v2 =	vsel vm13, v2, v4;
	v3, _, _ =	vpop (xrf2)  }
0x81: {  	s17 =	sshra.s32 s15, $0x2;
	s15 =	smov.u32 s16;
	v2 =	vsel vm14, v2, v3  }
0x82: {  	s14 =	sadd.s32 $0x200, s14;
	[tilespmem:s17+$0x41C8] =	vst v2  }
0x83: {  	v2 =	vld [tilespmem:s14+$0xE0]  }
0x84: {  	v3 =	vld [tilespmem:s14+$0xC0]  }
0x85: {  	v4 =	vld [tilespmem:s14+$0xD0];
	_ =	sdelay $0x2  }
0x86: {  	v5 =	vld [tilespmem:s14+$0x80];
	_ =	sdelay $0x1  }
0x87: {  	v8 =	vshrl.u32 v2, $0x10;
	v6 =	vshrl.u32 v3, $0x10;
	v7 =	vshrl.u32 v4, $0x10  }
0x88: {  	v8 =	vand.u32 $0x1, v8;
	v6 =	vand.u32 $0x1, v6;
	v9 =	vld [tilespmem:s14+$0xA0];
	v7 =	vand.u32 $0x1, v7  }
0x89: {  	v2 =	vadd.s32 v8, v2;
	v3 =	vadd.s32 v6, v3;
	v10 =	vld [tilespmem:s14+$0x90];
	v4 =	vadd.s32 v7, v4  }
0x8a: {  	v3 =	vadd.s32 $0x7FFF, v3;
	v6 =	vld [tilespmem:s14+$0x60];
	v7 =	vshrl.u32 v5, $0x10;
	v4 =	vadd.s32 $0x7FFF, v4  }
0x8b: {  	v3 =	vand.u32 $0xFFFF0000, v3;
	v8 =	vld [tilespmem:s14+$0x70];
	v7 =	vand.u32 $0x1, v7;
	v4 =	vand.u32 $0xFFFF0000, v4  }
0x8c: {  	v3 =	vmul.f32 v3, v1;
	v5 =	vadd.s32 v7, v5;
	v4 =	vmul.f32 v4, v0  }
0x8d: {  	v2 =	vadd.s32 $0x7FFF, v2;
	v5 =	vadd.s32 $0x7FFF, v5  }
0x8e: {  	v7 =	vshrl.u32 v9, $0x10;
	v5 =	vand.u32 $0xFFFF0000, v5;
	v11 =	vadd.f32 v4, v3  }
0x8f: {  	v3 =	vshrl.u32 v10, $0x10;
	v4 =	vand.u32 $0x1, v7;
	v12 =	vmul.f32 v5, v1  }
0x90: {  	v5 =	vshrl.u32 v6, $0x10;
	v3 =	vand.u32 $0x1, v3;
	v7 =	vld [tilespmem:s14+$0x20];
	v13 =	vshrl.u32 v8, $0x10  }
0x91: {  	v5 =	vand.u32 $0x1, v5;
	v10 =	vadd.s32 v3, v10;
	v13 =	vand.u32 $0x1, v13;
	v3 =	vld [tilespmem:s14+$0xB0]  }
0x92: {  	v5 =	vadd.s32 v5, v6;
	v14 =	vld [tilespmem:s14+$0x40];
	v6 =	vadd.s32 v13, v8;
	v8 =	vadd.s32 $0x7FFF, v10  }
0x93: {  	v5 =	vadd.s32 $0x7FFF, v5;
	v10 =	vld [tilespmem:s14+$0x30];
	v6 =	vadd.s32 $0x7FFF, v6;
	v8 =	vand.u32 $0xFFFF0000, v8  }
0x94: {  	v5 =	vand.u32 $0xFFFF0000, v5;
	v6 =	vand.u32 $0xFFFF0000, v6;
	v8 =	vmul.f32 v8, v0  }
0x95: {  	v16 =	vmul.f32 v5, v1;
	v13 =	vld [tilespmem:s14+$0x0];
	v15 =	vshrl.u32 v7, $0x10;
	v6 =	vmul.f32 v6, v0  }
0x96: {  	v4 =	vadd.s32 v4, v9;
	v17 =	vld [tilespmem:s14+$0x10];
	v15 =	vand.u32 $0x1, v15;
	v5 =	vshrl.u32 v3, $0x10  }
0x97: {  	v8 =	vadd.f32 v8, v12;
	v7 =	vadd.s32 v15, v7;
	v9 =	vadd.f32 v6, v16  }
0x98: {  	v12 =	vshrl.u32 v14, $0x10;
	v6 =	vadd.s32 $0x7FFF, v7;
	v7 =	vshrl.u32 v10, $0x10  }
0x99: {  	v12 =	vand.u32 $0x1, v12;
	v15 =	vld [tilespmem:s14+$0xFFFFFFC0];
	v6 =	vand.u32 $0xFFFF0000, v6;
	v7 =	vand.u32 $0x1, v7  }
0x9a: {  	v16 =	vmul.f32 v6, v1;
	v7 =	vadd.s32 v7, v10;
	v6 =	vadd.s32 v12, v14  }
0x9b: {  	v10 =	vshrl.u32 v13, $0x10;
	v12 =	vshrl.u32 v17, $0x10;
	v14 =	vadd.s32 $0x7FFF, v7;
	v7 =	vld [tilespmem:s14+$0x50]  }
0x9c: {  	v10 =	vand.u32 $0x1, v10;
	v18 =	vld [tilespmem:s14+$0xFFFFFFE0];
	v12 =	vand.u32 $0x1, v12;
	v14 =	vand.u32 $0xFFFF0000, v14  }
0x9d: {  	v10 =	vadd.s32 v10, v13;
	v19 =	vld [tilespmem:s14+$0xFFFFFFD0];
	v12 =	vadd.s32 v12, v17;
	v13 =	vmul.f32 v14, v0  }
0x9e: {  	v10 =	vadd.s32 $0x7FFF, v10;
	v14 =	vld [tilespmem:s14+$0xFFFFFFA0];
	v17 =	vshrl.u32 v15, $0x10;
	v12 =	vadd.s32 $0x7FFF, v12  }
0x9f: {  	v10 =	vand.u32 $0xFFFF0000, v10;
	v20 =	vld [tilespmem:s14+$0xFFFFFFB0];
	v17 =	vand.u32 $0x1, v17;
	v12 =	vand.u32 $0xFFFF0000, v12  }
0xa0: {  	v15 =	vadd.s32 v17, v15;
	v17 =	vmul.f32 v10, v1;
	v12 =	vmul.f32 v12, v0  }
0xa1: {  	v16 =	vadd.f32 v13, v16;
	v10 =	vshrl.u32 v7, $0x10;
	v15 =	vadd.s32 $0x7FFF, v15  }
0xa2: {  	v13 =	vand.u32 $0xFFFF0000, v15;
	v15 =	vshrl.u32 v18, $0x10;
	v21 =	vadd.f32 v12, v17  }
0xa3: {  	v12 =	vshrl.u32 v19, $0x10;
	v17 =	vmul.f32 v13, v1;
	v13 =	vand.u32 $0x1, v15;
	(xrf2) =	vadd.scan.msk.f32 $0xffff, v11  }
0xa4: {  	v11 =	vshrl.u32 v14, $0x10;
	v22 =	vand.u32 $0x1, v12;
	v15 =	vshrl.u32 v20, $0x10;
	v12 =	vld [tilespmem:s14+$0xFFFFFFF0]  }
0xa5: {  	v11 =	vand.u32 $0x1, v11;
	v19 =	vadd.s32 v22, v19;
	v23 =	vld [tilespmem:s14+$0xFFFFFF60];
	v15 =	vand.u32 $0x1, v15  }
0xa6: {  	v11 =	vadd.s32 v11, v14;
	v22 =	vld [tilespmem:s14+$0xFFFFFF80];
	v14 =	vadd.s32 v15, v20;
	v15 =	vadd.s32 $0x7FFF, v19;
	(xrf2) =	vadd.scan.msk.f32 $0xffff, v8  }
0xa7: {  	v8 =	vadd.s32 $0x7FFF, v11;
	v20 =	vld [tilespmem:s14+$0xFFFFFF70];
	v11 =	vadd.s32 $0x7FFF, v14;
	v14 =	vand.u32 $0xFFFF0000, v15  }
0xa8: {  	v8 =	vand.u32 $0xFFFF0000, v8;
	v11 =	vand.u32 $0xFFFF0000, v11;
	v15 =	vmul.f32 v14, v0  }
0xa9: {  	v13 =	vadd.s32 v13, v18;
	v8 =	vmul.f32 v8, v1;
	v14 =	vld [tilespmem:s14+$0xFFFFFF90];
	v11 =	vmul.f32 v11, v0;
	(xrf2) =	vadd.scan.msk.f32 $0xffff, v9  }
0xaa: {  	v24 =	vld [tilespmem:s14+$0xFFFFFF40];
	v9 =	vshrl.u32 v23, $0x10;
	v25 =	vadd.f32 v15, v17;
	v15 =	vshrl.u32 v12, $0x10  }
0xab: {  	v26 =	vld [tilespmem:s14+$0xFFFFFF50];
	v9 =	vand.u32 $0x1, v9;
	v18 =	vshrl.u32 v22, $0x10;
	v17 =	vadd.f32 v11, v8  }
0xac: {  	v23 =	vadd.s32 v9, v23;
	v9 =	vshrl.u32 v20, $0x10;
	v11 =	vand.u32 $0x1, v18;
	(xrf2) =	vadd.scan.msk.f32 $0xffff, v16  }
0xad: {  	v19 =	vld [tilespmem:s14+$0xFFFFFF00];
	v18 =	vadd.s32 $0x7FFF, v23;
	v9 =	vand.u32 $0x1, v9;
	v16 =	vadd.s32 v11, v22;
	v8, _, _ =	vpop (xrf2)  }
0xae: {  	v11 =	vand.u32 $0xFFFF0000, v18;
	v28 =	vadd.s32 v9, v20;
	v18 =	vshrl.u32 v14, $0x10  }
.Ltmp1:
0xaf: {  	v23 =	vshrl.u32 v24, $0x10;
	v20 =	vmul.f32 v11, v1;
	v27 =	vadd.s32 $0x7FFF, v28;
	(xrf2) =	vadd.scan.msk.f32 $0xffff, v21;
	(pc) =	sbr.rel @p0 .LBB2_4-.Ltmp1, $4  }
0xb0: {  	v22 =	vld [tilespmem:s14+$0xFFFFFF10];
	v11 =	vand.u32 $0x1, v23;
	v21 =	vshrl.u32 v26, $0x10;
	v23 =	vand.u32 $0xFFFF0000, v27;
	v9, _, _ =	vpop (xrf2)  }
0xb1: {  	v29 =	vadd.s32 v11, v24;
	v27 =	vand.u32 $0x1, v21;
	v24 =	vmul.f32 v23, v0  }
0xb2: {  	v23 =	vshrl.u32 v19, $0x10;
	v21 =	vld [tilespmem:s14+$0xFFFFFF20];
	v28 =	vadd.s32 $0x7FFF, v29;
	v27 =	vadd.s32 v27, v26;
	(xrf2) =	vadd.scan.msk.f32 $0xffff, v25  }
0xb3: {  	s16 =	sadd.s32 $0x40, s16;
	v25 =	vand.u32 $0x1, v23;
	v23 =	vld [tilespmem:s14+$0xFFFFFF30];
	v26 =	vand.u32 $0xFFFF0000, v28;
	v27 =	vadd.s32 $0x7FFF, v27;
	v11, _, _ =	vpop (xrf2)  }
0xb4: {  	v19 =	vadd.s32 v25, v19  }
0xb5: {  	v57 =	vmul.f32 v26, v1;
	v58 =	vand.u32 $0xFFFF0000, v27;
	v20 =	vadd.f32 v24, v20  }
0xb6: {  	v18 =	vand.u32 $0x1, v18;
	v16 =	vadd.s32 $0x7FFF, v16;
	v19 =	vadd.s32 $0x7FFF, v19  }
0xb7: {  	v15 =	vand.u32 $0x1, v15;
	v59 =	vshrl.u32 v22, $0x10;
	v19 =	vand.u32 $0xFFFF0000, v19  }
0xb8: {  	v26 =	vmul.f32 v58, v0;
	v27 =	vand.u32 $0x1, v59;
	v19 =	vmul.f32 v19, v1  }
0xb9: {  	v60 =	vadd.s32 v27, v22;
	v62 =	vshrl.u32 v21, $0x10;
	v63 =	vshrl.u32 v23, $0x10  }
0xba: {  	v61 =	vadd.f32 v26, v57;
	v25 =	vand.u32 $0x1, v62;
	v26 =	vand.u32 $0x1, v63  }
0xbb: {  	v22 =	vadd.s32 $0x7FFF, v60;
	v25 =	vadd.s32 v25, v21;
	v27 =	vadd.s32 v26, v23  }
0xbc: {  	v22 =	vand.u32 $0xFFFF0000, v22;
	v21 =	vadd.s32 $0x7FFF, v25;
	v23 =	vadd.s32 $0x7FFF, v27  }
0xbd: {  	v22 =	vmul.f32 v22, v0;
	v21 =	vand.u32 $0xFFFF0000, v21;
	v28 =	vand.u32 $0xFFFF0000, v23  }
0xbe: {  	(xrf2) =	vadd.scan.msk.f32 $0xffff, v17;
	v14 =	vadd.s32 v18, v14;
	v29 =	vmul.f32 v21, v1;
	v30 =	vmul.f32 v28, v0  }
0xbf: {  	v13 =	vadd.s32 $0x7FFF, v13;
	(xrf2) =	vadd.scan.msk.f32 $0xffff, v20;
	v14 =	vadd.s32 $0x7FFF, v14;
	v19 =	vadd.f32 v22, v19  }
0xc0: {  	v16 =	vand.u32 $0xFFFF0000, v16;
	v14 =	vand.u32 $0xFFFF0000, v14;
	(xrf2) =	vadd.scan.msk.f32 $0xffff, v61;
	v17 =	vadd.f32 v30, v29  }
0xc1: {  	v12 =	vadd.s32 v15, v12;
	v16 =	vmul.f32 v16, v1;
	v14 =	vmul.f32 v14, v0;
	(xrf2) =	vadd.scan.msk.f32 $0xffff, v19  }
0xc2: {  	v10 =	vand.u32 $0x1, v10;
	v6 =	vadd.s32 $0x7FFF, v6;
	v12 =	vadd.s32 $0x7FFF, v12;
	(xrf2) =	vadd.scan.msk.f32 $0xffff, v17  }
0xc3: {  	v13 =	vand.u32 $0xFFFF0000, v13;
	v12 =	vand.u32 $0xFFFF0000, v12;
	v14 =	vadd.f32 v14, v16  }
0xc4: {  	v31 =	vld [tilespmem:s14+$0xF0];
	v7 =	vadd.s32 v10, v7;
	v13 =	vmul.f32 v13, v1;
	v12 =	vmul.f32 v12, v0  }
0xc5: {  	v5 =	vand.u32 $0x1, v5;
	v4 =	vadd.s32 $0x7FFF, v4;
	v32, _, _ =	vpop (xrf2);
	v7 =	vadd.s32 $0x7FFF, v7;
	(xrf2) =	vadd.scan.msk.f32 $0xffff, v14  }
0xc6: {  	v6 =	vand.u32 $0xFFFF0000, v6;
	v7 =	vand.u32 $0xFFFF0000, v7;
	v33, _, _ =	vpop (xrf2);
	v12 =	vadd.f32 v12, v13  }
0xc7: {  	v3 =	vadd.s32 v5, v3;
	v6 =	vmul.f32 v6, v1;
	v7 =	vmul.f32 v7, v0;
	v34, _, _ =	vpop (xrf2)  }
0xc8: {  	v4 =	vand.u32 $0xFFFF0000, v4;
	v3 =	vadd.s32 $0x7FFF, v3;
	v35, _, _ =	vpop (xrf2);
	(xrf2) =	vadd.scan.msk.f32 $0xffff, v12  }
0xc9: {  	v3 =	vand.u32 $0xFFFF0000, v3;
	v36 =	vshrl.u32 v31, $0x10;
	v6 =	vadd.f32 v7, v6;
	v37, _, _ =	vpop (xrf2)  }
0xca: {  	v4 =	vmul.f32 v4, v1;
	v3 =	vmul.f32 v3, v0;
	v16 =	vand.u32 $0x1, v36;
	v38, _, _ =	vpop (xrf2)  }
0xcb: {  	v2 =	vand.u32 $0xFFFF0000, v2;
	v15 =	vadd.s32 v16, v31;
	(xrf2) =	vadd.scan.msk.f32 $0xffff, v6;
	v39, _, _ =	vpop (xrf2)  }
0xcc: {  	v40 =	vmul.f32 v2, v1;
	v3 =	vadd.f32 v3, v4;
	v41 =	vadd.s32 $0x7FFF, v15;
	v42, _, _ =	vpop (xrf2)  }
0xcd: {  	v2 =	vand.u32 $0xFFFF0000, v41;
	v43 =	vbroadcast v39, $0xF;
	v4 =	vbroadcast v42, $0xF  }
0xce: {  	v44 =	vmul.f32 v2, v0;
	v7 =	vbroadcast v38, $0xF;
	(xrf2) =	vadd.scan.msk.f32 $0xffff, v3  }
0xcf: {  	v46 =	vbroadcast v37, $0xF;
	v47, _, _ =	vpop (xrf2);
	v45 =	vsel vm0, v43, v4  }
0xd0: {  	v0 =	vadd.f32 v44, v40;
	v4 =	vbroadcast v47, $0xF;
	v2 =	vsel vm1, v45, v7  }
0xd1: {  	v49 =	vbroadcast v35, $0xF;
	v48 =	vsel vm2, v2, v46  }
0xd2: {  	v50 =	vbroadcast v34, $0xF;
	(xrf2) =	vadd.scan.msk.f32 $0xffff, v0;
	v51, _, _ =	vpop (xrf2);
	v1 =	vsel vm3, v48, v4  }
0xd3: {  	v53 =	vbroadcast v51, $0xF;
	v52 =	vsel vm4, v1, v49  }
0xd4: {  	v54 =	vbroadcast v33, $0xF;
	v0 =	vsel vm5, v52, v50  }
0xd5: {  	v55 =	vbroadcast v32, $0xF;
	v56, _, _ =	vpop (xrf2);
	v0 =	vsel vm6, v0, v53  }
0xd6: {  	v57 =	vbroadcast v56, $0xF;
	v0 =	vsel vm7, v0, v54  }
0xd7: {  	v58 =	vbroadcast v11, $0xF;
	v0 =	vsel vm8, v0, v55  }
0xd8: {  	v59 =	vbroadcast v9, $0xF;
	v60, _, _ =	vpop (xrf2);
	v0 =	vsel vm9, v0, v57  }
0xd9: {  	v61 =	vbroadcast v60, $0xF;
	v0 =	vsel vm10, v0, v58  }
0xda: {  	v62 =	vbroadcast v8, $0xF;
	v0 =	vsel vm11, v0, v59  }
0xdb: {  	v0 =	vsel vm12, v0, v61  }
0xdc: {  	s13 =	sadd.s32 $0x1, s13;
	v63, _, _ =	vpop (xrf2);
	v0 =	vsel vm13, v0, v62  }
0xdd: {  	s31 =	sshra.s32 s15, $0x2;
	p0 =	sne.s32 s13, s7;
	v0 =	vsel vm14, v0, v63  }
.Ltmp2:
0xde: {  	[tilespmem:s31+$0x41C8] =	vst v0;
	(pc) =	sbr.rel @p0 .LBB2_1-.Ltmp2, $4  }
0xdf: {  	[hbm4b:s6+s3] =	stream.linear.scatter [tilespmem:s12], [sflag:$0x2], $0x140, $0x38;
	[tilespmem:$0x4308] =	vst v63  }
0xe0: {  	_ =	swait.ge [sflag:s9], $0x140  }
0xe1: {  	[sflag:s9] =	ssyncset.done $0x0  }
0xe2: {  	[sflag:s9] =	ssyncadd.s32 $0xFFFFFEC0  }
0xe3: {  	_ =	sfence.sel $0x180000  }
0xe4: {  	[bflag:$0x0] =	sbarrier.arrive $0xFFFF  }
0xe5: {  	p0 =	sne.s32 s0, $0x0;
	_ =	strace $0x90000047  }
0xe6: {  	s0 =	sadd.s32 @!p0 $0x100000, s1;
	[bflag:$0x2] =	sbarrier.arrive $0xFFFF  }
0xe7: {  	[sflag:s0] =	ssyncadd.tile.s32 @!p0 $0x1;
	_ =	shalt  }
.Lfunc_end2:
_tile_overlayer_lowered:
.L_overlay_start_2:
0xe8: {  	(tag) =	ssettag $0x2  }
0xe9: {  	s0 =	rddreg [dreg:$0x0];
	s2 =	stileid.u32  }
0xea: {  	s1 =	rddreg [dreg:$0x1];
	p0 =	sne.s32 s2, $0x0  }
0xeb: {  	s3 =	rddreg [dreg:$0x2];
	[bflag:$0x3] =	sbarrier.arrive $0xFFFF;
	s2 =	simm.s32 @!p0 $0x1C02  }
0xec: {  	[timem:s3], [sflag:s2] =	dma.local @!p0 [hbm:s0], s1  }
0xed: {  	s0 =	simm.s32 @!p0 $0x2  }
0xee: {  	_ =	swait.ge @!p0 [sflag:s0], s1  }
0xef: {  	s1 =	ssub.s32 @!p0 $0x0, s1;
	[sflag:s0] =	ssyncset.done @!p0 $0x0  }
0xf0: {  	[sflag:s0] =	ssyncadd.s32 @!p0 s1  }
0xf1: {  	[bflag:$0x3] =	sbarrier.arrive $0xFFFF  }
0xf2: {  	_ =	shalt  }

</sc_bundles>
